<compile_context>
chip_gen: v7x
topology: tpu7x:2x2x1
jax: 0.10.2.dev20260603
libtpu: 0.0.44.dev20260713+nightly
codegen_flags: <defaults>
</compile_context>

<pallas_src>
import jax
import jax.numpy as jnp
from jax import lax
from jax.experimental import pallas as pl
from jax.experimental.pallas import tpu as pltpu
from jax.experimental.pallas import tpu_sc as plsc

NUM_FIELDS = 26
VOCAB = 100000
EMB = 50
BATCH = 16384
NUM_FEAT = 13
HIDDEN = 128
OUT = 2

V_TOT = NUM_FIELDS * VOCAB

NC = 2
NS = 16
NW = NC * NS
GATHER_W = 128
B_PER_TILE = BATCH // NW
SUBBLOCKS = B_PER_TILE // GATHER_W
N_TBLK = BATCH // GATHER_W


def _gather_body(proj_hbm, idx_hbm, out_hbm, idx_v, rows_v, sem):
    wid = lax.axis_index("s") * NC + lax.axis_index("c")
    tblk = wid * SUBBLOCKS
    pltpu.sync_copy(idx_hbm.at[pl.ds(tblk, SUBBLOCKS)], idx_v)

    def sub(s, carry):
        pltpu.async_copy(proj_hbm.at[idx_v.at[s, 0]], rows_v, sem).wait()
        copies = [
            pltpu.async_copy(proj_hbm.at[idx_v.at[s, f]], rows_v, sem,
                             add=True)
            for f in range(1, NUM_FIELDS)
        ]
        for c in copies:
            c.wait()
        pltpu.sync_copy(rows_v,
                        out_hbm.at[pl.ds((tblk + s) * GATHER_W, GATHER_W)])
        return carry

    lax.fori_loop(0, SUBBLOCKS, sub, 0)


def _sc_gather_add(proj, idx3):
    mesh = plsc.VectorSubcoreMesh(core_axis_name="c", subcore_axis_name="s")
    return pl.kernel(
        _gather_body,
        out_type=jax.ShapeDtypeStruct((BATCH, HIDDEN), jnp.float32),
        mesh=mesh,
        scratch_types=[
            pltpu.VMEM((SUBBLOCKS, NUM_FIELDS, GATHER_W), jnp.int32),
            pltpu.VMEM((GATHER_W, HIDDEN), jnp.float32),
            pltpu.SemaphoreType.DMA,
        ],
        compiler_params=pltpu.CompilerParams(use_tc_tiling_on_sc=False),
    )(proj, idx3)


def _mlp_body(hsum_ref, xnum_ref, w1n_ref, b1_ref, w2_ref, b2_ref, out_ref):
    h = hsum_ref[...] + jnp.dot(xnum_ref[...], w1n_ref[...],
                                preferred_element_type=jnp.float32)
    h = jnp.maximum(h + b1_ref[...], 0.0)
    out_ref[...] = jnp.dot(h, w2_ref[...],
                           preferred_element_type=jnp.float32) + b2_ref[...]


def _tc_mlp(hsum, x_num, W1n, b1, W2, b2, block_b):
    grid = (BATCH // block_b,)
    return pl.pallas_call(
        _mlp_body,
        grid=grid,
        in_specs=[
            pl.BlockSpec((block_b, HIDDEN), lambda i: (i, 0)),
            pl.BlockSpec((block_b, NUM_FEAT), lambda i: (i, 0)),
            pl.BlockSpec((NUM_FEAT, HIDDEN), lambda i: (0, 0)),
            pl.BlockSpec((1, HIDDEN), lambda i: (0, 0)),
            pl.BlockSpec((HIDDEN, OUT), lambda i: (0, 0)),
            pl.BlockSpec((1, OUT), lambda i: (0, 0)),
        ],
        out_specs=pl.BlockSpec((block_b, OUT), lambda i: (i, 0)),
        out_shape=jax.ShapeDtypeStruct((BATCH, OUT), jnp.float32),
    )(hsum, x_num, W1n, b1, W2, b2)


def kernel(x_cat, x_num, tables, W1, b1, W2, b2):
    t_T = jnp.transpose(tables, (0, 2, 1))
    W1_3 = W1[:NUM_FIELDS * EMB].reshape(NUM_FIELDS, EMB, HIDDEN)
    proj = jnp.einsum("fex,feh->fxh", t_T, W1_3,
                      preferred_element_type=jnp.float32)
    proj = proj.reshape(V_TOT, HIDDEN)

    idx = (x_cat.astype(jnp.int32)
           + (jnp.arange(NUM_FIELDS, dtype=jnp.int32) * VOCAB)[None, :])
    idx3 = jnp.transpose(idx.reshape(N_TBLK, GATHER_W, NUM_FIELDS),
                         (0, 2, 1))

    hsum = _sc_gather_add(proj, idx3)
    return _tc_mlp(hsum, x_num, W1[NUM_FIELDS * EMB:],
                   b1.reshape(1, HIDDEN), W2, b2.reshape(1, OUT),
                   block_b=2048)

# --- scband reference (transcript-rebuilt; emitter-appended) ---
"""Pipeline reference for scband-embed-nn-65051574665600 (READ-ONLY COPY).

The authoritative reference and input builder live on the scoring server;
editing this copy changes nothing except your own understanding.
"""

import jax, jax.numpy as jnp
import numpy as np

NUM_FIELDS = 26
VOCAB = 100000
EMB = 50
BATCH = 16384
NUM_FEAT = 13
HIDDEN = 128
OUT = 2


def setup_inputs(seed: int = 0) -> dict:
    key = jax.random.key(seed)
    ks = jax.random.split(key, 6)
    x_cat = jax.random.randint(ks[0], (BATCH, NUM_FIELDS), 0, VOCAB, dtype=jnp.int64 if jax.config.jax_enable_x64 else jnp.int32)
    x_num = jax.random.normal(ks[1], (BATCH, NUM_FEAT), dtype=jnp.float32)
    # 26 embedding tables, all [VOCAB, EMB]; stacked for convenience but each field uses its own table slice
    tables = jax.random.normal(ks[2], (NUM_FIELDS, VOCAB, EMB), dtype=jnp.float32) * 0.02
    W1 = jax.random.normal(ks[3], (NUM_FIELDS * EMB + NUM_FEAT, HIDDEN), dtype=jnp.float32) * 0.02
    b1 = jnp.zeros((HIDDEN,), dtype=jnp.float32)
    W2 = jax.random.normal(ks[4], (HIDDEN, OUT), dtype=jnp.float32) * 0.02
    b2 = jnp.zeros((OUT,), dtype=jnp.float32)
    return {"x_cat": x_cat, "x_num": x_num, "tables": tables, "W1": W1, "b1": b1, "W2": W2, "b2": b2}


def reference(x_cat, x_num, tables, W1, b1, W2, b2):
    # Per-field embedding lookup: emb_i = tables[i][x_cat[:, i]]
    field_idx = jnp.arange(NUM_FIELDS)[:, None]          # [F, 1]
    emb = tables[field_idx, x_cat.T]                     # [F, B, E] gather
    emb = jnp.transpose(emb, (1, 0, 2)).reshape(x_cat.shape[0], NUM_FIELDS * EMB)  # torch.cat(x, 1)
    x = jnp.concatenate([emb, x_num], axis=1)            # cat with numeric features
    h = jnp.maximum(x @ W1 + b1, 0.0)                    # Linear + ReLU
    return h @ W2 + b2                                   # Linear -> 2

if __name__ == "__main__":
    import jax
    _d = setup_inputs()
    print(jax.jit(kernel)(*tuple(_d.values())))

</pallas_src>

<mosaic_0001>
#map = affine_map<(d0, d1) -> (0, 0)>
#map1 = affine_map<(d0, d1) -> (0, 0, 0)>
module attributes {stable_mosaic.version = 14 : i64} {
  func.func @_gather_body(%arg0: i32, %arg1: i32, %arg2: memref<2600000x128xf32, #tpu.memory_space<hbm>>, %arg3: memref<128x26x128xi32, #tpu.memory_space<hbm>>, %arg4: memref<16384x128xf32, #tpu.memory_space<hbm>>, %arg5: memref<4x26x128xi32, #tpu.memory_space<vmem>>, %arg6: memref<128x128xf32, #tpu.memory_space<vmem>>, %arg7: memref<!tpu.dma_semaphore, #tpu.memory_space<semaphore_mem>>) attributes {dimension_semantics = [#tpu.dimension_semantics<core_parallel>, #tpu.dimension_semantics<subcore_parallel>], iteration_bounds = array<i64: 2, 16>, scalar_prefetch = 0 : i64, scratch_operands = 3 : i64, tpu.core_type = #tpu.core_type<sc_vector_subcore>, window_params = [{transform_indices = #map}, {transform_indices = #map1}, {transform_indices = #map}]} {
    %mul3A = arith.constant 2 : i32
    %mul3A_0 = arith.muli %arg1, %mul3A : i32
    %add3A = arith.addi %mul3A_0, %arg0 : i32
    %mul3A_1 = arith.constant 4 : i32
    %mul3A_2 = arith.muli %add3A, %mul3A_1 : i32
    "tpu.region"() ({
      %run_scoped3A = tpu.sem_alloc : memref<!tpu.dma_semaphore, #tpu.memory_space<semaphore_mem>>
      %dma_start3A = arith.constant 0 : i32
      %dma_start3A_8 = arith.constant 0 : i32
      %dma_start3A_9 = tpu.memref_slice %arg3[%mul3A_2, %dma_start3A, %dma_start3A_8] : memref<128x26x128xi32, #tpu.memory_space<hbm>> -> memref<4x26x128xi32, #tpu.memory_space<hbm>>
      %dma_start3A_10 = arith.constant 0 : i32
      %dma_start3A_11 = arith.constant 0 : i32
      %dma_start3A_12 = tpu.memref_slice %arg3[%mul3A_2, %dma_start3A_10, %dma_start3A_11] : memref<128x26x128xi32, #tpu.memory_space<hbm>> -> memref<4x26x128xi32, #tpu.memory_space<hbm>>
      tpu.enqueue_dma source(%dma_start3A_12 : memref<4x26x128xi32, #tpu.memory_space<hbm>>) target(%arg5 : memref<4x26x128xi32, #tpu.memory_space<vmem>>) target_semaphore(%run_scoped3A : memref<!tpu.dma_semaphore, #tpu.memory_space<semaphore_mem>>)
      %dma_wait3A = arith.constant 0 : i32
      %dma_wait3A_13 = arith.constant 0 : i32
      %dma_wait3A_14 = tpu.memref_slice %arg3[%mul3A_2, %dma_wait3A, %dma_wait3A_13] : memref<128x26x128xi32, #tpu.memory_space<hbm>> -> memref<4x26x128xi32, #tpu.memory_space<hbm>>
      %dma_wait3A_15 = arith.constant 0 : i32
      %dma_wait3A_16 = arith.constant 0 : i32
      %dma_wait3A_17 = tpu.memref_slice %arg3[%mul3A_2, %dma_wait3A_15, %dma_wait3A_16] : memref<128x26x128xi32, #tpu.memory_space<hbm>> -> memref<4x26x128xi32, #tpu.memory_space<hbm>>
      tpu.wait_dma2 semaphore(%run_scoped3A : memref<!tpu.dma_semaphore, #tpu.memory_space<semaphore_mem>>) src(%dma_wait3A_17 : memref<4x26x128xi32, #tpu.memory_space<hbm>>) dst(%arg5 : memref<4x26x128xi32, #tpu.memory_space<vmem>>)
      tpu.yield
    }) : () -> ()
    %scan3A = arith.constant 0 : i32
    %scan3A_3 = arith.constant 0 : i32
    %scan3A_4 = arith.constant 4 : i32
    %scan3A_5 = arith.addi %scan3A_3, %scan3A_4 : i32
    %scan3A_6 = arith.constant 1 : i32
    scf.for %scan3A_8 = %scan3A_3 to %scan3A_5 step %scan3A_6  : i32 {
      %dma_start3A = arith.constant 0 : i32
      %dma_start3A_9 = arith.constant 0 : i32
      %dma_start3A_10 = tpu.memref_slice %arg5[%scan3A_8, %dma_start3A, %dma_start3A_9] : memref<4x26x128xi32, #tpu.memory_space<vmem>> -> memref<1x1x128xi32, #tpu.memory_space<vmem>>
      %dma_start3A_11 = tpu.memref_squeeze %dma_start3A_10 : memref<1x1x128xi32, #tpu.memory_space<vmem>> -> memref<128xi32, #tpu.memory_space<vmem>>
      %dma_start3A_12 = arith.constant 0 : i32
      %dma_start3A_13 = arith.constant 0 : i32
      %dma_start3A_14 = tpu.memref_slice %arg2[%dma_start3A_12, %dma_start3A_13] : memref<2600000x128xf32, #tpu.memory_space<hbm>> -> memref<2600000x128xf32, #tpu.memory_space<hbm>>
      tpu.enqueue_indirect_dma source(%dma_start3A_14 : memref<2600000x128xf32, #tpu.memory_space<hbm>>) target(%arg6 : memref<128x128xf32, #tpu.memory_space<vmem>>) offsets(%dma_start3A_11 : memref<128xi32, #tpu.memory_space<vmem>>) semaphore(%arg7 : memref<!tpu.dma_semaphore, #tpu.memory_space<semaphore_mem>>)
      %dma_wait3A = arith.constant 0 : i32
      %dma_wait3A_15 = arith.constant 0 : i32
      %dma_wait3A_16 = tpu.memref_slice %arg5[%scan3A_8, %dma_wait3A, %dma_wait3A_15] : memref<4x26x128xi32, #tpu.memory_space<vmem>> -> memref<1x1x128xi32, #tpu.memory_space<vmem>>
      %dma_wait3A_17 = tpu.memref_squeeze %dma_wait3A_16 : memref<1x1x128xi32, #tpu.memory_space<vmem>> -> memref<128xi32, #tpu.memory_space<vmem>>
      %dma_wait3A_18 = arith.constant 0 : i32
      %dma_wait3A_19 = arith.constant 0 : i32
      %dma_wait3A_20 = tpu.memref_slice %arg2[%dma_wait3A_18, %dma_wait3A_19] : memref<2600000x128xf32, #tpu.memory_space<hbm>> -> memref<2600000x128xf32, #tpu.memory_space<hbm>>
      tpu.wait_indirect_dma semaphore(%arg7 : memref<!tpu.dma_semaphore, #tpu.memory_space<semaphore_mem>>) src(%dma_wait3A_20 : memref<2600000x128xf32, #tpu.memory_space<hbm>>) dst(%arg6 : memref<128x128xf32, #tpu.memory_space<vmem>>)
      %dma_start3A_21 = arith.constant 1 : i32
      %dma_start3A_22 = arith.constant 0 : i32
      %dma_start3A_23 = tpu.memref_slice %arg5[%scan3A_8, %dma_start3A_21, %dma_start3A_22] : memref<4x26x128xi32, #tpu.memory_space<vmem>> -> memref<1x1x128xi32, #tpu.memory_space<vmem>>
      %dma_start3A_24 = tpu.memref_squeeze %dma_start3A_23 : memref<1x1x128xi32, #tpu.memory_space<vmem>> -> memref<128xi32, #tpu.memory_space<vmem>>
      %dma_start3A_25 = arith.constant 0 : i32
      %dma_start3A_26 = arith.constant 0 : i32
      %dma_start3A_27 = tpu.memref_slice %arg2[%dma_start3A_25, %dma_start3A_26] : memref<2600000x128xf32, #tpu.memory_space<hbm>> -> memref<2600000x128xf32, #tpu.memory_space<hbm>>
      tpu.enqueue_indirect_dma source(%dma_start3A_27 : memref<2600000x128xf32, #tpu.memory_space<hbm>>) target(%arg6 : memref<128x128xf32, #tpu.memory_space<vmem>>) offsets(%dma_start3A_24 : memref<128xi32, #tpu.memory_space<vmem>>) semaphore(%arg7 : memref<!tpu.dma_semaphore, #tpu.memory_space<semaphore_mem>>) {add = true}
      %dma_start3A_28 = arith.constant 2 : i32
      %dma_start3A_29 = arith.constant 0 : i32
      %dma_start3A_30 = tpu.memref_slice %arg5[%scan3A_8, %dma_start3A_28, %dma_start3A_29] : memref<4x26x128xi32, #tpu.memory_space<vmem>> -> memref<1x1x128xi32, #tpu.memory_space<vmem>>
      %dma_start3A_31 = tpu.memref_squeeze %dma_start3A_30 : memref<1x1x128xi32, #tpu.memory_space<vmem>> -> memref<128xi32, #tpu.memory_space<vmem>>
      %dma_start3A_32 = arith.constant 0 : i32
      %dma_start3A_33 = arith.constant 0 : i32
      %dma_start3A_34 = tpu.memref_slice %arg2[%dma_start3A_32, %dma_start3A_33] : memref<2600000x128xf32, #tpu.memory_space<hbm>> -> memref<2600000x128xf32, #tpu.memory_space<hbm>>
      tpu.enqueue_indirect_dma source(%dma_start3A_34 : memref<2600000x128xf32, #tpu.memory_space<hbm>>) target(%arg6 : memref<128x128xf32, #tpu.memory_space<vmem>>) offsets(%dma_start3A_31 : memref<128xi32, #tpu.memory_space<vmem>>) semaphore(%arg7 : memref<!tpu.dma_semaphore, #tpu.memory_space<semaphore_mem>>) {add = true}
      %dma_start3A_35 = arith.constant 3 : i32
      %dma_start3A_36 = arith.constant 0 : i32
      %dma_start3A_37 = tpu.memref_slice %arg5[%scan3A_8, %dma_start3A_35, %dma_start3A_36] : memref<4x26x128xi32, #tpu.memory_space<vmem>> -> memref<1x1x128xi32, #tpu.memory_space<vmem>>
      %dma_start3A_38 = tpu.memref_squeeze %dma_start3A_37 : memref<1x1x128xi32, #tpu.memory_space<vmem>> -> memref<128xi32, #tpu.memory_space<vmem>>
      %dma_start3A_39 = arith.constant 0 : i32
      %dma_start3A_40 = arith.constant 0 : i32
      %dma_start3A_41 = tpu.memref_slice %arg2[%dma_start3A_39, %dma_start3A_40] : memref<2600000x128xf32, #tpu.memory_space<hbm>> -> memref<2600000x128xf32, #tpu.memory_space<hbm>>
      tpu.enqueue_indirect_dma source(%dma_start3A_41 : memref<2600000x128xf32, #tpu.memory_space<hbm>>) target(%arg6 : memref<128x128xf32, #tpu.memory_space<vmem>>) offsets(%dma_start3A_38 : memref<128xi32, #tpu.memory_space<vmem>>) semaphore(%arg7 : memref<!tpu.dma_semaphore, #tpu.memory_space<semaphore_mem>>) {add = true}
      %dma_start3A_42 = arith.constant 4 : i32
      %dma_start3A_43 = arith.constant 0 : i32
      %dma_start3A_44 = tpu.memref_slice %arg5[%scan3A_8, %dma_start3A_42, %dma_start3A_43] : memref<4x26x128xi32, #tpu.memory_space<vmem>> -> memref<1x1x128xi32, #tpu.memory_space<vmem>>
      %dma_start3A_45 = tpu.memref_squeeze %dma_start3A_44 : memref<1x1x128xi32, #tpu.memory_space<vmem>> -> memref<128xi32, #tpu.memory_space<vmem>>
      %dma_start3A_46 = arith.constant 0 : i32
      %dma_start3A_47 = arith.constant 0 : i32
      %dma_start3A_48 = tpu.memref_slice %arg2[%dma_start3A_46, %dma_start3A_47] : memref<2600000x128xf32, #tpu.memory_space<hbm>> -> memref<2600000x128xf32, #tpu.memory_space<hbm>>
      tpu.enqueue_indirect_dma source(%dma_start3A_48 : memref<2600000x128xf32, #tpu.memory_space<hbm>>) target(%arg6 : memref<128x128xf32, #tpu.memory_space<vmem>>) offsets(%dma_start3A_45 : memref<128xi32, #tpu.memory_space<vmem>>) semaphore(%arg7 : memref<!tpu.dma_semaphore, #tpu.memory_space<semaphore_mem>>) {add = true}
      %dma_start3A_49 = arith.constant 5 : i32
      %dma_start3A_50 = arith.constant 0 : i32
      %dma_start3A_51 = tpu.memref_slice %arg5[%scan3A_8, %dma_start3A_49, %dma_start3A_50] : memref<4x26x128xi32, #tpu.memory_space<vmem>> -> memref<1x1x128xi32, #tpu.memory_space<vmem>>
      %dma_start3A_52 = tpu.memref_squeeze %dma_start3A_51 : memref<1x1x128xi32, #tpu.memory_space<vmem>> -> memref<128xi32, #tpu.memory_space<vmem>>
      %dma_start3A_53 = arith.constant 0 : i32
      %dma_start3A_54 = arith.constant 0 : i32
      %dma_start3A_55 = tpu.memref_slice %arg2[%dma_start3A_53, %dma_start3A_54] : memref<2600000x128xf32, #tpu.memory_space<hbm>> -> memref<2600000x128xf32, #tpu.memory_space<hbm>>
      tpu.enqueue_indirect_dma source(%dma_start3A_55 : memref<2600000x128xf32, #tpu.memory_space<hbm>>) target(%arg6 : memref<128x128xf32, #tpu.memory_space<vmem>>) offsets(%dma_start3A_52 : memref<128xi32, #tpu.memory_space<vmem>>) semaphore(%arg7 : memref<!tpu.dma_semaphore, #tpu.memory_space<semaphore_mem>>) {add = true}
      %dma_start3A_56 = arith.constant 6 : i32
      %dma_start3A_57 = arith.constant 0 : i32
      %dma_start3A_58 = tpu.memref_slice %arg5[%scan3A_8, %dma_start3A_56, %dma_start3A_57] : memref<4x26x128xi32, #tpu.memory_space<vmem>> -> memref<1x1x128xi32, #tpu.memory_space<vmem>>
      %dma_start3A_59 = tpu.memref_squeeze %dma_start3A_58 : memref<1x1x128xi32, #tpu.memory_space<vmem>> -> memref<128xi32, #tpu.memory_space<vmem>>
      %dma_start3A_60 = arith.constant 0 : i32
      %dma_start3A_61 = arith.constant 0 : i32
      %dma_start3A_62 = tpu.memref_slice %arg2[%dma_start3A_60, %dma_start3A_61] : memref<2600000x128xf32, #tpu.memory_space<hbm>> -> memref<2600000x128xf32, #tpu.memory_space<hbm>>
      tpu.enqueue_indirect_dma source(%dma_start3A_62 : memref<2600000x128xf32, #tpu.memory_space<hbm>>) target(%arg6 : memref<128x128xf32, #tpu.memory_space<vmem>>) offsets(%dma_start3A_59 : memref<128xi32, #tpu.memory_space<vmem>>) semaphore(%arg7 : memref<!tpu.dma_semaphore, #tpu.memory_space<semaphore_mem>>) {add = true}
      %dma_start3A_63 = arith.constant 7 : i32
      %dma_start3A_64 = arith.constant 0 : i32
      %dma_start3A_65 = tpu.memref_slice %arg5[%scan3A_8, %dma_start3A_63, %dma_start3A_64] : memref<4x26x128xi32, #tpu.memory_space<vmem>> -> memref<1x1x128xi32, #tpu.memory_space<vmem>>
      %dma_start3A_66 = tpu.memref_squeeze %dma_start3A_65 : memref<1x1x128xi32, #tpu.memory_space<vmem>> -> memref<128xi32, #tpu.memory_space<vmem>>
      %dma_start3A_67 = arith.constant 0 : i32
      %dma_start3A_68 = arith.constant 0 : i32
      %dma_start3A_69 = tpu.memref_slice %arg2[%dma_start3A_67, %dma_start3A_68] : memref<2600000x128xf32, #tpu.memory_space<hbm>> -> memref<2600000x128xf32, #tpu.memory_space<hbm>>
      tpu.enqueue_indirect_dma source(%dma_start3A_69 : memref<2600000x128xf32, #tpu.memory_space<hbm>>) target(%arg6 : memref<128x128xf32, #tpu.memory_space<vmem>>) offsets(%dma_start3A_66 : memref<128xi32, #tpu.memory_space<vmem>>) semaphore(%arg7 : memref<!tpu.dma_semaphore, #tpu.memory_space<semaphore_mem>>) {add = true}
      %dma_start3A_70 = arith.constant 8 : i32
      %dma_start3A_71 = arith.constant 0 : i32
      %dma_start3A_72 = tpu.memref_slice %arg5[%scan3A_8, %dma_start3A_70, %dma_start3A_71] : memref<4x26x128xi32, #tpu.memory_space<vmem>> -> memref<1x1x128xi32, #tpu.memory_space<vmem>>
      %dma_start3A_73 = tpu.memref_squeeze %dma_start3A_72 : memref<1x1x128xi32, #tpu.memory_space<vmem>> -> memref<128xi32, #tpu.memory_space<vmem>>
      %dma_start3A_74 = arith.constant 0 : i32
      %dma_start3A_75 = arith.constant 0 : i32
      %dma_start3A_76 = tpu.memref_slice %arg2[%dma_start3A_74, %dma_start3A_75] : memref<2600000x128xf32, #tpu.memory_space<hbm>> -> memref<2600000x128xf32, #tpu.memory_space<hbm>>
      tpu.enqueue_indirect_dma source(%dma_start3A_76 : memref<2600000x128xf32, #tpu.memory_space<hbm>>) target(%arg6 : memref<128x128xf32, #tpu.memory_space<vmem>>) offsets(%dma_start3A_73 : memref<128xi32, #tpu.memory_space<vmem>>) semaphore(%arg7 : memref<!tpu.dma_semaphore, #tpu.memory_space<semaphore_mem>>) {add = true}
      %dma_start3A_77 = arith.constant 9 : i32
      %dma_start3A_78 = arith.constant 0 : i32
      %dma_start3A_79 = tpu.memref_slice %arg5[%scan3A_8, %dma_start3A_77, %dma_start3A_78] : memref<4x26x128xi32, #tpu.memory_space<vmem>> -> memref<1x1x128xi32, #tpu.memory_space<vmem>>
      %dma_start3A_80 = tpu.memref_squeeze %dma_start3A_79 : memref<1x1x128xi32, #tpu.memory_space<vmem>> -> memref<128xi32, #tpu.memory_space<vmem>>
      %dma_start3A_81 = arith.constant 0 : i32
      %dma_start3A_82 = arith.constant 0 : i32
      %dma_start3A_83 = tpu.memref_slice %arg2[%dma_start3A_81, %dma_start3A_82] : memref<2600000x128xf32, #tpu.memory_space<hbm>> -> memref<2600000x128xf32, #tpu.memory_space<hbm>>
      tpu.enqueue_indirect_dma source(%dma_start3A_83 : memref<2600000x128xf32, #tpu.memory_space<hbm>>) target(%arg6 : memref<128x128xf32, #tpu.memory_space<vmem>>) offsets(%dma_start3A_80 : memref<128xi32, #tpu.memory_space<vmem>>) semaphore(%arg7 : memref<!tpu.dma_semaphore, #tpu.memory_space<semaphore_mem>>) {add = true}
      %dma_start3A_84 = arith.constant 10 : i32
      %dma_start3A_85 = arith.constant 0 : i32
      %dma_start3A_86 = tpu.memref_slice %arg5[%scan3A_8, %dma_start3A_84, %dma_start3A_85] : memref<4x26x128xi32, #tpu.memory_space<vmem>> -> memref<1x1x128xi32, #tpu.memory_space<vmem>>
      %dma_start3A_87 = tpu.memref_squeeze %dma_start3A_86 : memref<1x1x128xi32, #tpu.memory_space<vmem>> -> memref<128xi32, #tpu.memory_space<vmem>>
      %dma_start3A_88 = arith.constant 0 : i32
      %dma_start3A_89 = arith.constant 0 : i32
      %dma_start3A_90 = tpu.memref_slice %arg2[%dma_start3A_88, %dma_start3A_89] : memref<2600000x128xf32, #tpu.memory_space<hbm>> -> memref<2600000x128xf32, #tpu.memory_space<hbm>>
      tpu.enqueue_indirect_dma source(%dma_start3A_90 : memref<2600000x128xf32, #tpu.memory_space<hbm>>) target(%arg6 : memref<128x128xf32, #tpu.memory_space<vmem>>) offsets(%dma_start3A_87 : memref<128xi32, #tpu.memory_space<vmem>>) semaphore(%arg7 : memref<!tpu.dma_semaphore, #tpu.memory_space<semaphore_mem>>) {add = true}
      %dma_start3A_91 = arith.constant 11 : i32
      %dma_start3A_92 = arith.constant 0 : i32
      %dma_start3A_93 = tpu.memref_slice %arg5[%scan3A_8, %dma_start3A_91, %dma_start3A_92] : memref<4x26x128xi32, #tpu.memory_space<vmem>> -> memref<1x1x128xi32, #tpu.memory_space<vmem>>
      %dma_start3A_94 = tpu.memref_squeeze %dma_start3A_93 : memref<1x1x128xi32, #tpu.memory_space<vmem>> -> memref<128xi32, #tpu.memory_space<vmem>>
      %dma_start3A_95 = arith.constant 0 : i32
      %dma_start3A_96 = arith.constant 0 : i32
      %dma_start3A_97 = tpu.memref_slice %arg2[%dma_start3A_95, %dma_start3A_96] : memref<2600000x128xf32, #tpu.memory_space<hbm>> -> memref<2600000x128xf32, #tpu.memory_space<hbm>>
      tpu.enqueue_indirect_dma source(%dma_start3A_97 : memref<2600000x128xf32, #tpu.memory_space<hbm>>) target(%arg6 : memref<128x128xf32, #tpu.memory_space<vmem>>) offsets(%dma_start3A_94 : memref<128xi32, #tpu.memory_space<vmem>>) semaphore(%arg7 : memref<!tpu.dma_semaphore, #tpu.memory_space<semaphore_mem>>) {add = true}
      %dma_start3A_98 = arith.constant 12 : i32
      %dma_start3A_99 = arith.constant 0 : i32
      %dma_start3A_100 = tpu.memref_slice %arg5[%scan3A_8, %dma_start3A_98, %dma_start3A_99] : memref<4x26x128xi32, #tpu.memory_space<vmem>> -> memref<1x1x128xi32, #tpu.memory_space<vmem>>
      %dma_start3A_101 = tpu.memref_squeeze %dma_start3A_100 : memref<1x1x128xi32, #tpu.memory_space<vmem>> -> memref<128xi32, #tpu.memory_space<vmem>>
      %dma_start3A_102 = arith.constant 0 : i32
      %dma_start3A_103 = arith.constant 0 : i32
      %dma_start3A_104 = tpu.memref_slice %arg2[%dma_start3A_102, %dma_start3A_103] : memref<2600000x128xf32, #tpu.memory_space<hbm>> -> memref<2600000x128xf32, #tpu.memory_space<hbm>>
      tpu.enqueue_indirect_dma source(%dma_start3A_104 : memref<2600000x128xf32, #tpu.memory_space<hbm>>) target(%arg6 : memref<128x128xf32, #tpu.memory_space<vmem>>) offsets(%dma_start3A_101 : memref<128xi32, #tpu.memory_space<vmem>>) semaphore(%arg7 : memref<!tpu.dma_semaphore, #tpu.memory_space<semaphore_mem>>) {add = true}
      %dma_start3A_105 = arith.constant 13 : i32
      %dma_start3A_106 = arith.constant 0 : i32
      %dma_start3A_107 = tpu.memref_slice %arg5[%scan3A_8, %dma_start3A_105, %dma_start3A_106] : memref<4x26x128xi32, #tpu.memory_space<vmem>> -> memref<1x1x128xi32, #tpu.memory_space<vmem>>
      %dma_start3A_108 = tpu.memref_squeeze %dma_start3A_107 : memref<1x1x128xi32, #tpu.memory_space<vmem>> -> memref<128xi32, #tpu.memory_space<vmem>>
      %dma_start3A_109 = arith.constant 0 : i32
      %dma_start3A_110 = arith.constant 0 : i32
      %dma_start3A_111 = tpu.memref_slice %arg2[%dma_start3A_109, %dma_start3A_110] : memref<2600000x128xf32, #tpu.memory_space<hbm>> -> memref<2600000x128xf32, #tpu.memory_space<hbm>>
      tpu.enqueue_indirect_dma source(%dma_start3A_111 : memref<2600000x128xf32, #tpu.memory_space<hbm>>) target(%arg6 : memref<128x128xf32, #tpu.memory_space<vmem>>) offsets(%dma_start3A_108 : memref<128xi32, #tpu.memory_space<vmem>>) semaphore(%arg7 : memref<!tpu.dma_semaphore, #tpu.memory_space<semaphore_mem>>) {add = true}
      %dma_start3A_112 = arith.constant 14 : i32
      %dma_start3A_113 = arith.constant 0 : i32
      %dma_start3A_114 = tpu.memref_slice %arg5[%scan3A_8, %dma_start3A_112, %dma_start3A_113] : memref<4x26x128xi32, #tpu.memory_space<vmem>> -> memref<1x1x128xi32, #tpu.memory_space<vmem>>
      %dma_start3A_115 = tpu.memref_squeeze %dma_start3A_114 : memref<1x1x128xi32, #tpu.memory_space<vmem>> -> memref<128xi32, #tpu.memory_space<vmem>>
      %dma_start3A_116 = arith.constant 0 : i32
      %dma_start3A_117 = arith.constant 0 : i32
      %dma_start3A_118 = tpu.memref_slice %arg2[%dma_start3A_116, %dma_start3A_117] : memref<2600000x128xf32, #tpu.memory_space<hbm>> -> memref<2600000x128xf32, #tpu.memory_space<hbm>>
      tpu.enqueue_indirect_dma source(%dma_start3A_118 : memref<2600000x128xf32, #tpu.memory_space<hbm>>) target(%arg6 : memref<128x128xf32, #tpu.memory_space<vmem>>) offsets(%dma_start3A_115 : memref<128xi32, #tpu.memory_space<vmem>>) semaphore(%arg7 : memref<!tpu.dma_semaphore, #tpu.memory_space<semaphore_mem>>) {add = true}
      %dma_start3A_119 = arith.constant 15 : i32
      %dma_start3A_120 = arith.constant 0 : i32
      %dma_start3A_121 = tpu.memref_slice %arg5[%scan3A_8, %dma_start3A_119, %dma_start3A_120] : memref<4x26x128xi32, #tpu.memory_space<vmem>> -> memref<1x1x128xi32, #tpu.memory_space<vmem>>
      %dma_start3A_122 = tpu.memref_squeeze %dma_start3A_121 : memref<1x1x128xi32, #tpu.memory_space<vmem>> -> memref<128xi32, #tpu.memory_space<vmem>>
      %dma_start3A_123 = arith.constant 0 : i32
      %dma_start3A_124 = arith.constant 0 : i32
      %dma_start3A_125 = tpu.memref_slice %arg2[%dma_start3A_123, %dma_start3A_124] : memref<2600000x128xf32, #tpu.memory_space<hbm>> -> memref<2600000x128xf32, #tpu.memory_space<hbm>>
      tpu.enqueue_indirect_dma source(%dma_start3A_125 : memref<2600000x128xf32, #tpu.memory_space<hbm>>) target(%arg6 : memref<128x128xf32, #tpu.memory_space<vmem>>) offsets(%dma_start3A_122 : memref<128xi32, #tpu.memory_space<vmem>>) semaphore(%arg7 : memref<!tpu.dma_semaphore, #tpu.memory_space<semaphore_mem>>) {add = true}
      %dma_start3A_126 = arith.constant 16 : i32
      %dma_start3A_127 = arith.constant 0 : i32
      %dma_start3A_128 = tpu.memref_slice %arg5[%scan3A_8, %dma_start3A_126, %dma_start3A_127] : memref<4x26x128xi32, #tpu.memory_space<vmem>> -> memref<1x1x128xi32, #tpu.memory_space<vmem>>
      %dma_start3A_129 = tpu.memref_squeeze %dma_start3A_128 : memref<1x1x128xi32, #tpu.memory_space<vmem>> -> memref<128xi32, #tpu.memory_space<vmem>>
      %dma_start3A_130 = arith.constant 0 : i32
      %dma_start3A_131 = arith.constant 0 : i32
      %dma_start3A_132 = tpu.memref_slice %arg2[%dma_start3A_130, %dma_start3A_131] : memref<2600000x128xf32, #tpu.memory_space<hbm>> -> memref<2600000x128xf32, #tpu.memory_space<hbm>>
      tpu.enqueue_indirect_dma source(%dma_start3A_132 : memref<2600000x128xf32, #tpu.memory_space<hbm>>) target(%arg6 : memref<128x128xf32, #tpu.memory_space<vmem>>) offsets(%dma_start3A_129 : memref<128xi32, #tpu.memory_space<vmem>>) semaphore(%arg7 : memref<!tpu.dma_semaphore, #tpu.memory_space<semaphore_mem>>) {add = true}
      %dma_start3A_133 = arith.constant 17 : i32
      %dma_start3A_134 = arith.constant 0 : i32
      %dma_start3A_135 = tpu.memref_slice %arg5[%scan3A_8, %dma_start3A_133, %dma_start3A_134] : memref<4x26x128xi32, #tpu.memory_space<vmem>> -> memref<1x1x128xi32, #tpu.memory_space<vmem>>
      %dma_start3A_136 = tpu.memref_squeeze %dma_start3A_135 : memref<1x1x128xi32, #tpu.memory_space<vmem>> -> memref<128xi32, #tpu.memory_space<vmem>>
      %dma_start3A_137 = arith.constant 0 : i32
      %dma_start3A_138 = arith.constant 0 : i32
      %dma_start3A_139 = tpu.memref_slice %arg2[%dma_start3A_137, %dma_start3A_138] : memref<2600000x128xf32, #tpu.memory_space<hbm>> -> memref<2600000x128xf32, #tpu.memory_space<hbm>>
      tpu.enqueue_indirect_dma source(%dma_start3A_139 : memref<2600000x128xf32, #tpu.memory_space<hbm>>) target(%arg6 : memref<128x128xf32, #tpu.memory_space<vmem>>) offsets(%dma_start3A_136 : memref<128xi32, #tpu.memory_space<vmem>>) semaphore(%arg7 : memref<!tpu.dma_semaphore, #tpu.memory_space<semaphore_mem>>) {add = true}
      %dma_start3A_140 = arith.constant 18 : i32
      %dma_start3A_141 = arith.constant 0 : i32
      %dma_start3A_142 = tpu.memref_slice %arg5[%scan3A_8, %dma_start3A_140, %dma_start3A_141] : memref<4x26x128xi32, #tpu.memory_space<vmem>> -> memref<1x1x128xi32, #tpu.memory_space<vmem>>
      %dma_start3A_143 = tpu.memref_squeeze %dma_start3A_142 : memref<1x1x128xi32, #tpu.memory_space<vmem>> -> memref<128xi32, #tpu.memory_space<vmem>>
      %dma_start3A_144 = arith.constant 0 : i32
      %dma_start3A_145 = arith.constant 0 : i32
      %dma_start3A_146 = tpu.memref_slice %arg2[%dma_start3A_144, %dma_start3A_145] : memref<2600000x128xf32, #tpu.memory_space<hbm>> -> memref<2600000x128xf32, #tpu.memory_space<hbm>>
      tpu.enqueue_indirect_dma source(%dma_start3A_146 : memref<2600000x128xf32, #tpu.memory_space<hbm>>) target(%arg6 : memref<128x128xf32, #tpu.memory_space<vmem>>) offsets(%dma_start3A_143 : memref<128xi32, #tpu.memory_space<vmem>>) semaphore(%arg7 : memref<!tpu.dma_semaphore, #tpu.memory_space<semaphore_mem>>) {add = true}
      %dma_start3A_147 = arith.constant 19 : i32
      %dma_start3A_148 = arith.constant 0 : i32
      %dma_start3A_149 = tpu.memref_slice %arg5[%scan3A_8, %dma_start3A_147, %dma_start3A_148] : memref<4x26x128xi32, #tpu.memory_space<vmem>> -> memref<1x1x128xi32, #tpu.memory_space<vmem>>
      %dma_start3A_150 = tpu.memref_squeeze %dma_start3A_149 : memref<1x1x128xi32, #tpu.memory_space<vmem>> -> memref<128xi32, #tpu.memory_space<vmem>>
      %dma_start3A_151 = arith.constant 0 : i32
      %dma_start3A_152 = arith.constant 0 : i32
      %dma_start3A_153 = tpu.memref_slice %arg2[%dma_start3A_151, %dma_start3A_152] : memref<2600000x128xf32, #tpu.memory_space<hbm>> -> memref<2600000x128xf32, #tpu.memory_space<hbm>>
      tpu.enqueue_indirect_dma source(%dma_start3A_153 : memref<2600000x128xf32, #tpu.memory_space<hbm>>) target(%arg6 : memref<128x128xf32, #tpu.memory_space<vmem>>) offsets(%dma_start3A_150 : memref<128xi32, #tpu.memory_space<vmem>>) semaphore(%arg7 : memref<!tpu.dma_semaphore, #tpu.memory_space<semaphore_mem>>) {add = true}
      %dma_start3A_154 = arith.constant 20 : i32
      %dma_start3A_155 = arith.constant 0 : i32
      %dma_start3A_156 = tpu.memref_slice %arg5[%scan3A_8, %dma_start3A_154, %dma_start3A_155] : memref<4x26x128xi32, #tpu.memory_space<vmem>> -> memref<1x1x128xi32, #tpu.memory_space<vmem>>
      %dma_start3A_157 = tpu.memref_squeeze %dma_start3A_156 : memref<1x1x128xi32, #tpu.memory_space<vmem>> -> memref<128xi32, #tpu.memory_space<vmem>>
      %dma_start3A_158 = arith.constant 0 : i32
      %dma_start3A_159 = arith.constant 0 : i32
      %dma_start3A_160 = tpu.memref_slice %arg2[%dma_start3A_158, %dma_start3A_159] : memref<2600000x128xf32, #tpu.memory_space<hbm>> -> memref<2600000x128xf32, #tpu.memory_space<hbm>>
      tpu.enqueue_indirect_dma source(%dma_start3A_160 : memref<2600000x128xf32, #tpu.memory_space<hbm>>) target(%arg6 : memref<128x128xf32, #tpu.memory_space<vmem>>) offsets(%dma_start3A_157 : memref<128xi32, #tpu.memory_space<vmem>>) semaphore(%arg7 : memref<!tpu.dma_semaphore, #tpu.memory_space<semaphore_mem>>) {add = true}
      %dma_start3A_161 = arith.constant 21 : i32
      %dma_start3A_162 = arith.constant 0 : i32
      %dma_start3A_163 = tpu.memref_slice %arg5[%scan3A_8, %dma_start3A_161, %dma_start3A_162] : memref<4x26x128xi32, #tpu.memory_space<vmem>> -> memref<1x1x128xi32, #tpu.memory_space<vmem>>
      %dma_start3A_164 = tpu.memref_squeeze %dma_start3A_163 : memref<1x1x128xi32, #tpu.memory_space<vmem>> -> memref<128xi32, #tpu.memory_space<vmem>>
      %dma_start3A_165 = arith.constant 0 : i32
      %dma_start3A_166 = arith.constant 0 : i32
      %dma_start3A_167 = tpu.memref_slice %arg2[%dma_start3A_165, %dma_start3A_166] : memref<2600000x128xf32, #tpu.memory_space<hbm>> -> memref<2600000x128xf32, #tpu.memory_space<hbm>>
      tpu.enqueue_indirect_dma source(%dma_start3A_167 : memref<2600000x128xf32, #tpu.memory_space<hbm>>) target(%arg6 : memref<128x128xf32, #tpu.memory_space<vmem>>) offsets(%dma_start3A_164 : memref<128xi32, #tpu.memory_space<vmem>>) semaphore(%arg7 : memref<!tpu.dma_semaphore, #tpu.memory_space<semaphore_mem>>) {add = true}
      %dma_start3A_168 = arith.constant 22 : i32
      %dma_start3A_169 = arith.constant 0 : i32
      %dma_start3A_170 = tpu.memref_slice %arg5[%scan3A_8, %dma_start3A_168, %dma_start3A_169] : memref<4x26x128xi32, #tpu.memory_space<vmem>> -> memref<1x1x128xi32, #tpu.memory_space<vmem>>
      %dma_start3A_171 = tpu.memref_squeeze %dma_start3A_170 : memref<1x1x128xi32, #tpu.memory_space<vmem>> -> memref<128xi32, #tpu.memory_space<vmem>>
      %dma_start3A_172 = arith.constant 0 : i32
      %dma_start3A_173 = arith.constant 0 : i32
      %dma_start3A_174 = tpu.memref_slice %arg2[%dma_start3A_172, %dma_start3A_173] : memref<2600000x128xf32, #tpu.memory_space<hbm>> -> memref<2600000x128xf32, #tpu.memory_space<hbm>>
      tpu.enqueue_indirect_dma source(%dma_start3A_174 : memref<2600000x128xf32, #tpu.memory_space<hbm>>) target(%arg6 : memref<128x128xf32, #tpu.memory_space<vmem>>) offsets(%dma_start3A_171 : memref<128xi32, #tpu.memory_space<vmem>>) semaphore(%arg7 : memref<!tpu.dma_semaphore, #tpu.memory_space<semaphore_mem>>) {add = true}
      %dma_start3A_175 = arith.constant 23 : i32
      %dma_start3A_176 = arith.constant 0 : i32
      %dma_start3A_177 = tpu.memref_slice %arg5[%scan3A_8, %dma_start3A_175, %dma_start3A_176] : memref<4x26x128xi32, #tpu.memory_space<vmem>> -> memref<1x1x128xi32, #tpu.memory_space<vmem>>
      %dma_start3A_178 = tpu.memref_squeeze %dma_start3A_177 : memref<1x1x128xi32, #tpu.memory_space<vmem>> -> memref<128xi32, #tpu.memory_space<vmem>>
      %dma_start3A_179 = arith.constant 0 : i32
      %dma_start3A_180 = arith.constant 0 : i32
      %dma_start3A_181 = tpu.memref_slice %arg2[%dma_start3A_179, %dma_start3A_180] : memref<2600000x128xf32, #tpu.memory_space<hbm>> -> memref<2600000x128xf32, #tpu.memory_space<hbm>>
      tpu.enqueue_indirect_dma source(%dma_start3A_181 : memref<2600000x128xf32, #tpu.memory_space<hbm>>) target(%arg6 : memref<128x128xf32, #tpu.memory_space<vmem>>) offsets(%dma_start3A_178 : memref<128xi32, #tpu.memory_space<vmem>>) semaphore(%arg7 : memref<!tpu.dma_semaphore, #tpu.memory_space<semaphore_mem>>) {add = true}
      %dma_start3A_182 = arith.constant 24 : i32
      %dma_start3A_183 = arith.constant 0 : i32
      %dma_start3A_184 = tpu.memref_slice %arg5[%scan3A_8, %dma_start3A_182, %dma_start3A_183] : memref<4x26x128xi32, #tpu.memory_space<vmem>> -> memref<1x1x128xi32, #tpu.memory_space<vmem>>
      %dma_start3A_185 = tpu.memref_squeeze %dma_start3A_184 : memref<1x1x128xi32, #tpu.memory_space<vmem>> -> memref<128xi32, #tpu.memory_space<vmem>>
      %dma_start3A_186 = arith.constant 0 : i32
      %dma_start3A_187 = arith.constant 0 : i32
      %dma_start3A_188 = tpu.memref_slice %arg2[%dma_start3A_186, %dma_start3A_187] : memref<2600000x128xf32, #tpu.memory_space<hbm>> -> memref<2600000x128xf32, #tpu.memory_space<hbm>>
      tpu.enqueue_indirect_dma source(%dma_start3A_188 : memref<2600000x128xf32, #tpu.memory_space<hbm>>) target(%arg6 : memref<128x128xf32, #tpu.memory_space<vmem>>) offsets(%dma_start3A_185 : memref<128xi32, #tpu.memory_space<vmem>>) semaphore(%arg7 : memref<!tpu.dma_semaphore, #tpu.memory_space<semaphore_mem>>) {add = true}
      %dma_start3A_189 = arith.constant 25 : i32
      %dma_start3A_190 = arith.constant 0 : i32
      %dma_start3A_191 = tpu.memref_slice %arg5[%scan3A_8, %dma_start3A_189, %dma_start3A_190] : memref<4x26x128xi32, #tpu.memory_space<vmem>> -> memref<1x1x128xi32, #tpu.memory_space<vmem>>
      %dma_start3A_192 = tpu.memref_squeeze %dma_start3A_191 : memref<1x1x128xi32, #tpu.memory_space<vmem>> -> memref<128xi32, #tpu.memory_space<vmem>>
      %dma_start3A_193 = arith.constant 0 : i32
      %dma_start3A_194 = arith.constant 0 : i32
      %dma_start3A_195 = tpu.memref_slice %arg2[%dma_start3A_193, %dma_start3A_194] : memref<2600000x128xf32, #tpu.memory_space<hbm>> -> memref<2600000x128xf32, #tpu.memory_space<hbm>>
      tpu.enqueue_indirect_dma source(%dma_start3A_195 : memref<2600000x128xf32, #tpu.memory_space<hbm>>) target(%arg6 : memref<128x128xf32, #tpu.memory_space<vmem>>) offsets(%dma_start3A_192 : memref<128xi32, #tpu.memory_space<vmem>>) semaphore(%arg7 : memref<!tpu.dma_semaphore, #tpu.memory_space<semaphore_mem>>) {add = true}
      %dma_wait3A_196 = arith.constant 1 : i32
      %dma_wait3A_197 = arith.constant 0 : i32
      %dma_wait3A_198 = tpu.memref_slice %arg5[%scan3A_8, %dma_wait3A_196, %dma_wait3A_197] : memref<4x26x128xi32, #tpu.memory_space<vmem>> -> memref<1x1x128xi32, #tpu.memory_space<vmem>>
      %dma_wait3A_199 = tpu.memref_squeeze %dma_wait3A_198 : memref<1x1x128xi32, #tpu.memory_space<vmem>> -> memref<128xi32, #tpu.memory_space<vmem>>
      %dma_wait3A_200 = arith.constant 0 : i32
      %dma_wait3A_201 = arith.constant 0 : i32
      %dma_wait3A_202 = tpu.memref_slice %arg2[%dma_wait3A_200, %dma_wait3A_201] : memref<2600000x128xf32, #tpu.memory_space<hbm>> -> memref<2600000x128xf32, #tpu.memory_space<hbm>>
      tpu.wait_indirect_dma semaphore(%arg7 : memref<!tpu.dma_semaphore, #tpu.memory_space<semaphore_mem>>) src(%dma_wait3A_202 : memref<2600000x128xf32, #tpu.memory_space<hbm>>) dst(%arg6 : memref<128x128xf32, #tpu.memory_space<vmem>>)
      %dma_wait3A_203 = arith.constant 2 : i32
      %dma_wait3A_204 = arith.constant 0 : i32
      %dma_wait3A_205 = tpu.memref_slice %arg5[%scan3A_8, %dma_wait3A_203, %dma_wait3A_204] : memref<4x26x128xi32, #tpu.memory_space<vmem>> -> memref<1x1x128xi32, #tpu.memory_space<vmem>>
      %dma_wait3A_206 = tpu.memref_squeeze %dma_wait3A_205 : memref<1x1x128xi32, #tpu.memory_space<vmem>> -> memref<128xi32, #tpu.memory_space<vmem>>
      %dma_wait3A_207 = arith.constant 0 : i32
      %dma_wait3A_208 = arith.constant 0 : i32
      %dma_wait3A_209 = tpu.memref_slice %arg2[%dma_wait3A_207, %dma_wait3A_208] : memref<2600000x128xf32, #tpu.memory_space<hbm>> -> memref<2600000x128xf32, #tpu.memory_space<hbm>>
      tpu.wait_indirect_dma semaphore(%arg7 : memref<!tpu.dma_semaphore, #tpu.memory_space<semaphore_mem>>) src(%dma_wait3A_209 : memref<2600000x128xf32, #tpu.memory_space<hbm>>) dst(%arg6 : memref<128x128xf32, #tpu.memory_space<vmem>>)
      %dma_wait3A_210 = arith.constant 3 : i32
      %dma_wait3A_211 = arith.constant 0 : i32
      %dma_wait3A_212 = tpu.memref_slice %arg5[%scan3A_8, %dma_wait3A_210, %dma_wait3A_211] : memref<4x26x128xi32, #tpu.memory_space<vmem>> -> memref<1x1x128xi32, #tpu.memory_space<vmem>>
      %dma_wait3A_213 = tpu.memref_squeeze %dma_wait3A_212 : memref<1x1x128xi32, #tpu.memory_space<vmem>> -> memref<128xi32, #tpu.memory_space<vmem>>
      %dma_wait3A_214 = arith.constant 0 : i32
      %dma_wait3A_215 = arith.constant 0 : i32
      %dma_wait3A_216 = tpu.memref_slice %arg2[%dma_wait3A_214, %dma_wait3A_215] : memref<2600000x128xf32, #tpu.memory_space<hbm>> -> memref<2600000x128xf32, #tpu.memory_space<hbm>>
      tpu.wait_indirect_dma semaphore(%arg7 : memref<!tpu.dma_semaphore, #tpu.memory_space<semaphore_mem>>) src(%dma_wait3A_216 : memref<2600000x128xf32, #tpu.memory_space<hbm>>) dst(%arg6 : memref<128x128xf32, #tpu.memory_space<vmem>>)
      %dma_wait3A_217 = arith.constant 4 : i32
      %dma_wait3A_218 = arith.constant 0 : i32
      %dma_wait3A_219 = tpu.memref_slice %arg5[%scan3A_8, %dma_wait3A_217, %dma_wait3A_218] : memref<4x26x128xi32, #tpu.memory_space<vmem>> -> memref<1x1x128xi32, #tpu.memory_space<vmem>>
      %dma_wait3A_220 = tpu.memref_squeeze %dma_wait3A_219 : memref<1x1x128xi32, #tpu.memory_space<vmem>> -> memref<128xi32, #tpu.memory_space<vmem>>
      %dma_wait3A_221 = arith.constant 0 : i32
      %dma_wait3A_222 = arith.constant 0 : i32
      %dma_wait3A_223 = tpu.memref_slice %arg2[%dma_wait3A_221, %dma_wait3A_222] : memref<2600000x128xf32, #tpu.memory_space<hbm>> -> memref<2600000x128xf32, #tpu.memory_space<hbm>>
      tpu.wait_indirect_dma semaphore(%arg7 : memref<!tpu.dma_semaphore, #tpu.memory_space<semaphore_mem>>) src(%dma_wait3A_223 : memref<2600000x128xf32, #tpu.memory_space<hbm>>) dst(%arg6 : memref<128x128xf32, #tpu.memory_space<vmem>>)
      %dma_wait3A_224 = arith.constant 5 : i32
      %dma_wait3A_225 = arith.constant 0 : i32
      %dma_wait3A_226 = tpu.memref_slice %arg5[%scan3A_8, %dma_wait3A_224, %dma_wait3A_225] : memref<4x26x128xi32, #tpu.memory_space<vmem>> -> memref<1x1x128xi32, #tpu.memory_space<vmem>>
      %dma_wait3A_227 = tpu.memref_squeeze %dma_wait3A_226 : memref<1x1x128xi32, #tpu.memory_space<vmem>> -> memref<128xi32, #tpu.memory_space<vmem>>
      %dma_wait3A_228 = arith.constant 0 : i32
      %dma_wait3A_229 = arith.constant 0 : i32
      %dma_wait3A_230 = tpu.memref_slice %arg2[%dma_wait3A_228, %dma_wait3A_229] : memref<2600000x128xf32, #tpu.memory_space<hbm>> -> memref<2600000x128xf32, #tpu.memory_space<hbm>>
      tpu.wait_indirect_dma semaphore(%arg7 : memref<!tpu.dma_semaphore, #tpu.memory_space<semaphore_mem>>) src(%dma_wait3A_230 : memref<2600000x128xf32, #tpu.memory_space<hbm>>) dst(%arg6 : memref<128x128xf32, #tpu.memory_space<vmem>>)
      %dma_wait3A_231 = arith.constant 6 : i32
      %dma_wait3A_232 = arith.constant 0 : i32
      %dma_wait3A_233 = tpu.memref_slice %arg5[%scan3A_8, %dma_wait3A_231, %dma_wait3A_232] : memref<4x26x128xi32, #tpu.memory_space<vmem>> -> memref<1x1x128xi32, #tpu.memory_space<vmem>>
      %dma_wait3A_234 = tpu.memref_squeeze %dma_wait3A_233 : memref<1x1x128xi32, #tpu.memory_space<vmem>> -> memref<128xi32, #tpu.memory_space<vmem>>
      %dma_wait3A_235 = arith.constant 0 : i32
      %dma_wait3A_236 = arith.constant 0 : i32
      %dma_wait3A_237 = tpu.memref_slice %arg2[%dma_wait3A_235, %dma_wait3A_236] : memref<2600000x128xf32, #tpu.memory_space<hbm>> -> memref<2600000x128xf32, #tpu.memory_space<hbm>>
      tpu.wait_indirect_dma semaphore(%arg7 : memref<!tpu.dma_semaphore, #tpu.memory_space<semaphore_mem>>) src(%dma_wait3A_237 : memref<2600000x128xf32, #tpu.memory_space<hbm>>) dst(%arg6 : memref<128x128xf32, #tpu.memory_space<vmem>>)
      %dma_wait3A_238 = arith.constant 7 : i32
      %dma_wait3A_239 = arith.constant 0 : i32
      %dma_wait3A_240 = tpu.memref_slice %arg5[%scan3A_8, %dma_wait3A_238, %dma_wait3A_239] : memref<4x26x128xi32, #tpu.memory_space<vmem>> -> memref<1x1x128xi32, #tpu.memory_space<vmem>>
      %dma_wait3A_241 = tpu.memref_squeeze %dma_wait3A_240 : memref<1x1x128xi32, #tpu.memory_space<vmem>> -> memref<128xi32, #tpu.memory_space<vmem>>
      %dma_wait3A_242 = arith.constant 0 : i32
      %dma_wait3A_243 = arith.constant 0 : i32
      %dma_wait3A_244 = tpu.memref_slice %arg2[%dma_wait3A_242, %dma_wait3A_243] : memref<2600000x128xf32, #tpu.memory_space<hbm>> -> memref<2600000x128xf32, #tpu.memory_space<hbm>>
      tpu.wait_indirect_dma semaphore(%arg7 : memref<!tpu.dma_semaphore, #tpu.memory_space<semaphore_mem>>) src(%dma_wait3A_244 : memref<2600000x128xf32, #tpu.memory_space<hbm>>) dst(%arg6 : memref<128x128xf32, #tpu.memory_space<vmem>>)
      %dma_wait3A_245 = arith.constant 8 : i32
      %dma_wait3A_246 = arith.constant 0 : i32
      %dma_wait3A_247 = tpu.memref_slice %arg5[%scan3A_8, %dma_wait3A_245, %dma_wait3A_246] : memref<4x26x128xi32, #tpu.memory_space<vmem>> -> memref<1x1x128xi32, #tpu.memory_space<vmem>>
      %dma_wait3A_248 = tpu.memref_squeeze %dma_wait3A_247 : memref<1x1x128xi32, #tpu.memory_space<vmem>> -> memref<128xi32, #tpu.memory_space<vmem>>
      %dma_wait3A_249 = arith.constant 0 : i32
      %dma_wait3A_250 = arith.constant 0 : i32
      %dma_wait3A_251 = tpu.memref_slice %arg2[%dma_wait3A_249, %dma_wait3A_250] : memref<2600000x128xf32, #tpu.memory_space<hbm>> -> memref<2600000x128xf32, #tpu.memory_space<hbm>>
      tpu.wait_indirect_dma semaphore(%arg7 : memref<!tpu.dma_semaphore, #tpu.memory_space<semaphore_mem>>) src(%dma_wait3A_251 : memref<2600000x128xf32, #tpu.memory_space<hbm>>) dst(%arg6 : memref<128x128xf32, #tpu.memory_space<vmem>>)
      %dma_wait3A_252 = arith.constant 9 : i32
      %dma_wait3A_253 = arith.constant 0 : i32
      %dma_wait3A_254 = tpu.memref_slice %arg5[%scan3A_8, %dma_wait3A_252, %dma_wait3A_253] : memref<4x26x128xi32, #tpu.memory_space<vmem>> -> memref<1x1x128xi32, #tpu.memory_space<vmem>>
      %dma_wait3A_255 = tpu.memref_squeeze %dma_wait3A_254 : memref<1x1x128xi32, #tpu.memory_space<vmem>> -> memref<128xi32, #tpu.memory_space<vmem>>
      %dma_wait3A_256 = arith.constant 0 : i32
      %dma_wait3A_257 = arith.constant 0 : i32
      %dma_wait3A_258 = tpu.memref_slice %arg2[%dma_wait3A_256, %dma_wait3A_257] : memref<2600000x128xf32, #tpu.memory_space<hbm>> -> memref<2600000x128xf32, #tpu.memory_space<hbm>>
      tpu.wait_indirect_dma semaphore(%arg7 : memref<!tpu.dma_semaphore, #tpu.memory_space<semaphore_mem>>) src(%dma_wait3A_258 : memref<2600000x128xf32, #tpu.memory_space<hbm>>) dst(%arg6 : memref<128x128xf32, #tpu.memory_space<vmem>>)
      %dma_wait3A_259 = arith.constant 10 : i32
      %dma_wait3A_260 = arith.constant 0 : i32
      %dma_wait3A_261 = tpu.memref_slice %arg5[%scan3A_8, %dma_wait3A_259, %dma_wait3A_260] : memref<4x26x128xi32, #tpu.memory_space<vmem>> -> memref<1x1x128xi32, #tpu.memory_space<vmem>>
      %dma_wait3A_262 = tpu.memref_squeeze %dma_wait3A_261 : memref<1x1x128xi32, #tpu.memory_space<vmem>> -> memref<128xi32, #tpu.memory_space<vmem>>
      %dma_wait3A_263 = arith.constant 0 : i32
      %dma_wait3A_264 = arith.constant 0 : i32
      %dma_wait3A_265 = tpu.memref_slice %arg2[%dma_wait3A_263, %dma_wait3A_264] : memref<2600000x128xf32, #tpu.memory_space<hbm>> -> memref<2600000x128xf32, #tpu.memory_space<hbm>>
      tpu.wait_indirect_dma semaphore(%arg7 : memref<!tpu.dma_semaphore, #tpu.memory_space<semaphore_mem>>) src(%dma_wait3A_265 : memref<2600000x128xf32, #tpu.memory_space<hbm>>) dst(%arg6 : memref<128x128xf32, #tpu.memory_space<vmem>>)
      %dma_wait3A_266 = arith.constant 11 : i32
      %dma_wait3A_267 = arith.constant 0 : i32
      %dma_wait3A_268 = tpu.memref_slice %arg5[%scan3A_8, %dma_wait3A_266, %dma_wait3A_267] : memref<4x26x128xi32, #tpu.memory_space<vmem>> -> memref<1x1x128xi32, #tpu.memory_space<vmem>>
      %dma_wait3A_269 = tpu.memref_squeeze %dma_wait3A_268 : memref<1x1x128xi32, #tpu.memory_space<vmem>> -> memref<128xi32, #tpu.memory_space<vmem>>
      %dma_wait3A_270 = arith.constant 0 : i32
      %dma_wait3A_271 = arith.constant 0 : i32
      %dma_wait3A_272 = tpu.memref_slice %arg2[%dma_wait3A_270, %dma_wait3A_271] : memref<2600000x128xf32, #tpu.memory_space<hbm>> -> memref<2600000x128xf32, #tpu.memory_space<hbm>>
      tpu.wait_indirect_dma semaphore(%arg7 : memref<!tpu.dma_semaphore, #tpu.memory_space<semaphore_mem>>) src(%dma_wait3A_272 : memref<2600000x128xf32, #tpu.memory_space<hbm>>) dst(%arg6 : memref<128x128xf32, #tpu.memory_space<vmem>>)
      %dma_wait3A_273 = arith.constant 12 : i32
      %dma_wait3A_274 = arith.constant 0 : i32
      %dma_wait3A_275 = tpu.memref_slice %arg5[%scan3A_8, %dma_wait3A_273, %dma_wait3A_274] : memref<4x26x128xi32, #tpu.memory_space<vmem>> -> memref<1x1x128xi32, #tpu.memory_space<vmem>>
      %dma_wait3A_276 = tpu.memref_squeeze %dma_wait3A_275 : memref<1x1x128xi32, #tpu.memory_space<vmem>> -> memref<128xi32, #tpu.memory_space<vmem>>
      %dma_wait3A_277 = arith.constant 0 : i32
      %dma_wait3A_278 = arith.constant 0 : i32
      %dma_wait3A_279 = tpu.memref_slice %arg2[%dma_wait3A_277, %dma_wait3A_278] : memref<2600000x128xf32, #tpu.memory_space<hbm>> -> memref<2600000x128xf32, #tpu.memory_space<hbm>>
      tpu.wait_indirect_dma semaphore(%arg7 : memref<!tpu.dma_semaphore, #tpu.memory_space<semaphore_mem>>) src(%dma_wait3A_279 : memref<2600000x128xf32, #tpu.memory_space<hbm>>) dst(%arg6 : memref<128x128xf32, #tpu.memory_space<vmem>>)
      %dma_wait3A_280 = arith.constant 13 : i32
      %dma_wait3A_281 = arith.constant 0 : i32
      %dma_wait3A_282 = tpu.memref_slice %arg5[%scan3A_8, %dma_wait3A_280, %dma_wait3A_281] : memref<4x26x128xi32, #tpu.memory_space<vmem>> -> memref<1x1x128xi32, #tpu.memory_space<vmem>>
      %dma_wait3A_283 = tpu.memref_squeeze %dma_wait3A_282 : memref<1x1x128xi32, #tpu.memory_space<vmem>> -> memref<128xi32, #tpu.memory_space<vmem>>
      %dma_wait3A_284 = arith.constant 0 : i32
      %dma_wait3A_285 = arith.constant 0 : i32
      %dma_wait3A_286 = tpu.memref_slice %arg2[%dma_wait3A_284, %dma_wait3A_285] : memref<2600000x128xf32, #tpu.memory_space<hbm>> -> memref<2600000x128xf32, #tpu.memory_space<hbm>>
      tpu.wait_indirect_dma semaphore(%arg7 : memref<!tpu.dma_semaphore, #tpu.memory_space<semaphore_mem>>) src(%dma_wait3A_286 : memref<2600000x128xf32, #tpu.memory_space<hbm>>) dst(%arg6 : memref<128x128xf32, #tpu.memory_space<vmem>>)
      %dma_wait3A_287 = arith.constant 14 : i32
      %dma_wait3A_288 = arith.constant 0 : i32
      %dma_wait3A_289 = tpu.memref_slice %arg5[%scan3A_8, %dma_wait3A_287, %dma_wait3A_288] : memref<4x26x128xi32, #tpu.memory_space<vmem>> -> memref<1x1x128xi32, #tpu.memory_space<vmem>>
      %dma_wait3A_290 = tpu.memref_squeeze %dma_wait3A_289 : memref<1x1x128xi32, #tpu.memory_space<vmem>> -> memref<128xi32, #tpu.memory_space<vmem>>
      %dma_wait3A_291 = arith.constant 0 : i32
      %dma_wait3A_292 = arith.constant 0 : i32
      %dma_wait3A_293 = tpu.memref_slice %arg2[%dma_wait3A_291, %dma_wait3A_292] : memref<2600000x128xf32, #tpu.memory_space<hbm>> -> memref<2600000x128xf32, #tpu.memory_space<hbm>>
      tpu.wait_indirect_dma semaphore(%arg7 : memref<!tpu.dma_semaphore, #tpu.memory_space<semaphore_mem>>) src(%dma_wait3A_293 : memref<2600000x128xf32, #tpu.memory_space<hbm>>) dst(%arg6 : memref<128x128xf32, #tpu.memory_space<vmem>>)
      %dma_wait3A_294 = arith.constant 15 : i32
      %dma_wait3A_295 = arith.constant 0 : i32
      %dma_wait3A_296 = tpu.memref_slice %arg5[%scan3A_8, %dma_wait3A_294, %dma_wait3A_295] : memref<4x26x128xi32, #tpu.memory_space<vmem>> -> memref<1x1x128xi32, #tpu.memory_space<vmem>>
      %dma_wait3A_297 = tpu.memref_squeeze %dma_wait3A_296 : memref<1x1x128xi32, #tpu.memory_space<vmem>> -> memref<128xi32, #tpu.memory_space<vmem>>
      %dma_wait3A_298 = arith.constant 0 : i32
      %dma_wait3A_299 = arith.constant 0 : i32
      %dma_wait3A_300 = tpu.memref_slice %arg2[%dma_wait3A_298, %dma_wait3A_299] : memref<2600000x128xf32, #tpu.memory_space<hbm>> -> memref<2600000x128xf32, #tpu.memory_space<hbm>>
      tpu.wait_indirect_dma semaphore(%arg7 : memref<!tpu.dma_semaphore, #tpu.memory_space<semaphore_mem>>) src(%dma_wait3A_300 : memref<2600000x128xf32, #tpu.memory_space<hbm>>) dst(%arg6 : memref<128x128xf32, #tpu.memory_space<vmem>>)
      %dma_wait3A_301 = arith.constant 16 : i32
      %dma_wait3A_302 = arith.constant 0 : i32
      %dma_wait3A_303 = tpu.memref_slice %arg5[%scan3A_8, %dma_wait3A_301, %dma_wait3A_302] : memref<4x26x128xi32, #tpu.memory_space<vmem>> -> memref<1x1x128xi32, #tpu.memory_space<vmem>>
      %dma_wait3A_304 = tpu.memref_squeeze %dma_wait3A_303 : memref<1x1x128xi32, #tpu.memory_space<vmem>> -> memref<128xi32, #tpu.memory_space<vmem>>
      %dma_wait3A_305 = arith.constant 0 : i32
      %dma_wait3A_306 = arith.constant 0 : i32
      %dma_wait3A_307 = tpu.memref_slice %arg2[%dma_wait3A_305, %dma_wait3A_306] : memref<2600000x128xf32, #tpu.memory_space<hbm>> -> memref<2600000x128xf32, #tpu.memory_space<hbm>>
      tpu.wait_indirect_dma semaphore(%arg7 : memref<!tpu.dma_semaphore, #tpu.memory_space<semaphore_mem>>) src(%dma_wait3A_307 : memref<2600000x128xf32, #tpu.memory_space<hbm>>) dst(%arg6 : memref<128x128xf32, #tpu.memory_space<vmem>>)
      %dma_wait3A_308 = arith.constant 17 : i32
      %dma_wait3A_309 = arith.constant 0 : i32
      %dma_wait3A_310 = tpu.memref_slice %arg5[%scan3A_8, %dma_wait3A_308, %dma_wait3A_309] : memref<4x26x128xi32, #tpu.memory_space<vmem>> -> memref<1x1x128xi32, #tpu.memory_space<vmem>>
      %dma_wait3A_311 = tpu.memref_squeeze %dma_wait3A_310 : memref<1x1x128xi32, #tpu.memory_space<vmem>> -> memref<128xi32, #tpu.memory_space<vmem>>
      %dma_wait3A_312 = arith.constant 0 : i32
      %dma_wait3A_313 = arith.constant 0 : i32
      %dma_wait3A_314 = tpu.memref_slice %arg2[%dma_wait3A_312, %dma_wait3A_313] : memref<2600000x128xf32, #tpu.memory_space<hbm>> -> memref<2600000x128xf32, #tpu.memory_space<hbm>>
      tpu.wait_indirect_dma semaphore(%arg7 : memref<!tpu.dma_semaphore, #tpu.memory_space<semaphore_mem>>) src(%dma_wait3A_314 : memref<2600000x128xf32, #tpu.memory_space<hbm>>) dst(%arg6 : memref<128x128xf32, #tpu.memory_space<vmem>>)
      %dma_wait3A_315 = arith.constant 18 : i32
      %dma_wait3A_316 = arith.constant 0 : i32
      %dma_wait3A_317 = tpu.memref_slice %arg5[%scan3A_8, %dma_wait3A_315, %dma_wait3A_316] : memref<4x26x128xi32, #tpu.memory_space<vmem>> -> memref<1x1x128xi32, #tpu.memory_space<vmem>>
      %dma_wait3A_318 = tpu.memref_squeeze %dma_wait3A_317 : memref<1x1x128xi32, #tpu.memory_space<vmem>> -> memref<128xi32, #tpu.memory_space<vmem>>
      %dma_wait3A_319 = arith.constant 0 : i32
      %dma_wait3A_320 = arith.constant 0 : i32
      %dma_wait3A_321 = tpu.memref_slice %arg2[%dma_wait3A_319, %dma_wait3A_320] : memref<2600000x128xf32, #tpu.memory_space<hbm>> -> memref<2600000x128xf32, #tpu.memory_space<hbm>>
      tpu.wait_indirect_dma semaphore(%arg7 : memref<!tpu.dma_semaphore, #tpu.memory_space<semaphore_mem>>) src(%dma_wait3A_321 : memref<2600000x128xf32, #tpu.memory_space<hbm>>) dst(%arg6 : memref<128x128xf32, #tpu.memory_space<vmem>>)
      %dma_wait3A_322 = arith.constant 19 : i32
      %dma_wait3A_323 = arith.constant 0 : i32
      %dma_wait3A_324 = tpu.memref_slice %arg5[%scan3A_8, %dma_wait3A_322, %dma_wait3A_323] : memref<4x26x128xi32, #tpu.memory_space<vmem>> -> memref<1x1x128xi32, #tpu.memory_space<vmem>>
      %dma_wait3A_325 = tpu.memref_squeeze %dma_wait3A_324 : memref<1x1x128xi32, #tpu.memory_space<vmem>> -> memref<128xi32, #tpu.memory_space<vmem>>
      %dma_wait3A_326 = arith.constant 0 : i32
      %dma_wait3A_327 = arith.constant 0 : i32
      %dma_wait3A_328 = tpu.memref_slice %arg2[%dma_wait3A_326, %dma_wait3A_327] : memref<2600000x128xf32, #tpu.memory_space<hbm>> -> memref<2600000x128xf32, #tpu.memory_space<hbm>>
      tpu.wait_indirect_dma semaphore(%arg7 : memref<!tpu.dma_semaphore, #tpu.memory_space<semaphore_mem>>) src(%dma_wait3A_328 : memref<2600000x128xf32, #tpu.memory_space<hbm>>) dst(%arg6 : memref<128x128xf32, #tpu.memory_space<vmem>>)
      %dma_wait3A_329 = arith.constant 20 : i32
      %dma_wait3A_330 = arith.constant 0 : i32
      %dma_wait3A_331 = tpu.memref_slice %arg5[%scan3A_8, %dma_wait3A_329, %dma_wait3A_330] : memref<4x26x128xi32, #tpu.memory_space<vmem>> -> memref<1x1x128xi32, #tpu.memory_space<vmem>>
      %dma_wait3A_332 = tpu.memref_squeeze %dma_wait3A_331 : memref<1x1x128xi32, #tpu.memory_space<vmem>> -> memref<128xi32, #tpu.memory_space<vmem>>
      %dma_wait3A_333 = arith.constant 0 : i32
      %dma_wait3A_334 = arith.constant 0 : i32
      %dma_wait3A_335 = tpu.memref_slice %arg2[%dma_wait3A_333, %dma_wait3A_334] : memref<2600000x128xf32, #tpu.memory_space<hbm>> -> memref<2600000x128xf32, #tpu.memory_space<hbm>>
      tpu.wait_indirect_dma semaphore(%arg7 : memref<!tpu.dma_semaphore, #tpu.memory_space<semaphore_mem>>) src(%dma_wait3A_335 : memref<2600000x128xf32, #tpu.memory_space<hbm>>) dst(%arg6 : memref<128x128xf32, #tpu.memory_space<vmem>>)
      %dma_wait3A_336 = arith.constant 21 : i32
      %dma_wait3A_337 = arith.constant 0 : i32
      %dma_wait3A_338 = tpu.memref_slice %arg5[%scan3A_8, %dma_wait3A_336, %dma_wait3A_337] : memref<4x26x128xi32, #tpu.memory_space<vmem>> -> memref<1x1x128xi32, #tpu.memory_space<vmem>>
      %dma_wait3A_339 = tpu.memref_squeeze %dma_wait3A_338 : memref<1x1x128xi32, #tpu.memory_space<vmem>> -> memref<128xi32, #tpu.memory_space<vmem>>
      %dma_wait3A_340 = arith.constant 0 : i32
      %dma_wait3A_341 = arith.constant 0 : i32
      %dma_wait3A_342 = tpu.memref_slice %arg2[%dma_wait3A_340, %dma_wait3A_341] : memref<2600000x128xf32, #tpu.memory_space<hbm>> -> memref<2600000x128xf32, #tpu.memory_space<hbm>>
      tpu.wait_indirect_dma semaphore(%arg7 : memref<!tpu.dma_semaphore, #tpu.memory_space<semaphore_mem>>) src(%dma_wait3A_342 : memref<2600000x128xf32, #tpu.memory_space<hbm>>) dst(%arg6 : memref<128x128xf32, #tpu.memory_space<vmem>>)
      %dma_wait3A_343 = arith.constant 22 : i32
      %dma_wait3A_344 = arith.constant 0 : i32
      %dma_wait3A_345 = tpu.memref_slice %arg5[%scan3A_8, %dma_wait3A_343, %dma_wait3A_344] : memref<4x26x128xi32, #tpu.memory_space<vmem>> -> memref<1x1x128xi32, #tpu.memory_space<vmem>>
      %dma_wait3A_346 = tpu.memref_squeeze %dma_wait3A_345 : memref<1x1x128xi32, #tpu.memory_space<vmem>> -> memref<128xi32, #tpu.memory_space<vmem>>
      %dma_wait3A_347 = arith.constant 0 : i32
      %dma_wait3A_348 = arith.constant 0 : i32
      %dma_wait3A_349 = tpu.memref_slice %arg2[%dma_wait3A_347, %dma_wait3A_348] : memref<2600000x128xf32, #tpu.memory_space<hbm>> -> memref<2600000x128xf32, #tpu.memory_space<hbm>>
      tpu.wait_indirect_dma semaphore(%arg7 : memref<!tpu.dma_semaphore, #tpu.memory_space<semaphore_mem>>) src(%dma_wait3A_349 : memref<2600000x128xf32, #tpu.memory_space<hbm>>) dst(%arg6 : memref<128x128xf32, #tpu.memory_space<vmem>>)
      %dma_wait3A_350 = arith.constant 23 : i32
      %dma_wait3A_351 = arith.constant 0 : i32
      %dma_wait3A_352 = tpu.memref_slice %arg5[%scan3A_8, %dma_wait3A_350, %dma_wait3A_351] : memref<4x26x128xi32, #tpu.memory_space<vmem>> -> memref<1x1x128xi32, #tpu.memory_space<vmem>>
      %dma_wait3A_353 = tpu.memref_squeeze %dma_wait3A_352 : memref<1x1x128xi32, #tpu.memory_space<vmem>> -> memref<128xi32, #tpu.memory_space<vmem>>
      %dma_wait3A_354 = arith.constant 0 : i32
      %dma_wait3A_355 = arith.constant 0 : i32
      %dma_wait3A_356 = tpu.memref_slice %arg2[%dma_wait3A_354, %dma_wait3A_355] : memref<2600000x128xf32, #tpu.memory_space<hbm>> -> memref<2600000x128xf32, #tpu.memory_space<hbm>>
      tpu.wait_indirect_dma semaphore(%arg7 : memref<!tpu.dma_semaphore, #tpu.memory_space<semaphore_mem>>) src(%dma_wait3A_356 : memref<2600000x128xf32, #tpu.memory_space<hbm>>) dst(%arg6 : memref<128x128xf32, #tpu.memory_space<vmem>>)
      %dma_wait3A_357 = arith.constant 24 : i32
      %dma_wait3A_358 = arith.constant 0 : i32
      %dma_wait3A_359 = tpu.memref_slice %arg5[%scan3A_8, %dma_wait3A_357, %dma_wait3A_358] : memref<4x26x128xi32, #tpu.memory_space<vmem>> -> memref<1x1x128xi32, #tpu.memory_space<vmem>>
      %dma_wait3A_360 = tpu.memref_squeeze %dma_wait3A_359 : memref<1x1x128xi32, #tpu.memory_space<vmem>> -> memref<128xi32, #tpu.memory_space<vmem>>
      %dma_wait3A_361 = arith.constant 0 : i32
      %dma_wait3A_362 = arith.constant 0 : i32
      %dma_wait3A_363 = tpu.memref_slice %arg2[%dma_wait3A_361, %dma_wait3A_362] : memref<2600000x128xf32, #tpu.memory_space<hbm>> -> memref<2600000x128xf32, #tpu.memory_space<hbm>>
      tpu.wait_indirect_dma semaphore(%arg7 : memref<!tpu.dma_semaphore, #tpu.memory_space<semaphore_mem>>) src(%dma_wait3A_363 : memref<2600000x128xf32, #tpu.memory_space<hbm>>) dst(%arg6 : memref<128x128xf32, #tpu.memory_space<vmem>>)
      %dma_wait3A_364 = arith.constant 25 : i32
      %dma_wait3A_365 = arith.constant 0 : i32
      %dma_wait3A_366 = tpu.memref_slice %arg5[%scan3A_8, %dma_wait3A_364, %dma_wait3A_365] : memref<4x26x128xi32, #tpu.memory_space<vmem>> -> memref<1x1x128xi32, #tpu.memory_space<vmem>>
      %dma_wait3A_367 = tpu.memref_squeeze %dma_wait3A_366 : memref<1x1x128xi32, #tpu.memory_space<vmem>> -> memref<128xi32, #tpu.memory_space<vmem>>
      %dma_wait3A_368 = arith.constant 0 : i32
      %dma_wait3A_369 = arith.constant 0 : i32
      %dma_wait3A_370 = tpu.memref_slice %arg2[%dma_wait3A_368, %dma_wait3A_369] : memref<2600000x128xf32, #tpu.memory_space<hbm>> -> memref<2600000x128xf32, #tpu.memory_space<hbm>>
      tpu.wait_indirect_dma semaphore(%arg7 : memref<!tpu.dma_semaphore, #tpu.memory_space<semaphore_mem>>) src(%dma_wait3A_370 : memref<2600000x128xf32, #tpu.memory_space<hbm>>) dst(%arg6 : memref<128x128xf32, #tpu.memory_space<vmem>>)
      %add3A_371 = arith.addi %mul3A_2, %scan3A_8 : i32
      %mul3A_372 = arith.constant 128 : i32
      %mul3A_373 = arith.muli %add3A_371, %mul3A_372 : i32
      "tpu.region"() ({
        %run_scoped3A = tpu.sem_alloc : memref<!tpu.dma_semaphore, #tpu.memory_space<semaphore_mem>>
        %dma_start3A_374 = arith.constant 0 : i32
        %dma_start3A_375 = tpu.memref_slice %arg4[%mul3A_373, %dma_start3A_374] : memref<16384x128xf32, #tpu.memory_space<hbm>> -> memref<128x128xf32, #tpu.memory_space<hbm>>
        %dma_start3A_376 = arith.constant 0 : i32
        %dma_start3A_377 = tpu.memref_slice %arg4[%mul3A_373, %dma_start3A_376] : memref<16384x128xf32, #tpu.memory_space<hbm>> -> memref<128x128xf32, #tpu.memory_space<hbm>>
        tpu.enqueue_dma source(%arg6 : memref<128x128xf32, #tpu.memory_space<vmem>>) target(%dma_start3A_377 : memref<128x128xf32, #tpu.memory_space<hbm>>) target_semaphore(%run_scoped3A : memref<!tpu.dma_semaphore, #tpu.memory_space<semaphore_mem>>)
        %dma_wait3A_378 = arith.constant 0 : i32
        %dma_wait3A_379 = tpu.memref_slice %arg4[%mul3A_373, %dma_wait3A_378] : memref<16384x128xf32, #tpu.memory_space<hbm>> -> memref<128x128xf32, #tpu.memory_space<hbm>>
        %dma_wait3A_380 = arith.constant 0 : i32
        %dma_wait3A_381 = tpu.memref_slice %arg4[%mul3A_373, %dma_wait3A_380] : memref<16384x128xf32, #tpu.memory_space<hbm>> -> memref<128x128xf32, #tpu.memory_space<hbm>>
        tpu.wait_dma2 semaphore(%run_scoped3A : memref<!tpu.dma_semaphore, #tpu.memory_space<semaphore_mem>>) src(%arg6 : memref<128x128xf32, #tpu.memory_space<vmem>>) dst(%dma_wait3A_381 : memref<128x128xf32, #tpu.memory_space<hbm>>)
        tpu.yield
      }) : () -> ()
    }
    %scan3A_7 = arith.constant 4 : i32
    return
  }
}

module attributes {stable_mosaic.version = 14 : i64} {
  func.func @_mlp_body(%arg0: i32, %arg1: memref<2048x128xf32, #tpu.memory_space<vmem>>, %arg2: memref<2048x13xf32, #tpu.memory_space<vmem>>, %arg3: memref<13x128xf32, #tpu.memory_space<vmem>>, %arg4: memref<1x128xf32, #tpu.memory_space<vmem>>, %arg5: memref<128x2xf32, #tpu.memory_space<vmem>>, %arg6: memref<1x2xf32, #tpu.memory_space<vmem>>, %arg7: memref<2048x2xf32, #tpu.memory_space<vmem>>) attributes {dimension_semantics = [#tpu.dimension_semantics<arbitrary>], iteration_bounds = array<i64: 8>, scalar_prefetch = 0 : i64, scratch_operands = 0 : i64, tpu.core_type = #tpu.core_type<tc>, window_params = [{transform_indices = @transform_0, window_bounds = array<i64: 2048, 128>}, {transform_indices = @transform_1, window_bounds = array<i64: 2048, 13>}, {pipeline_mode = #tpu.pipeline_mode<synchronous>, transform_indices = @transform_2, window_bounds = array<i64: 13, 128>}, {pipeline_mode = #tpu.pipeline_mode<synchronous>, transform_indices = @transform_3, window_bounds = array<i64: 1, 128>}, {pipeline_mode = #tpu.pipeline_mode<synchronous>, transform_indices = @transform_4, window_bounds = array<i64: 128, 2>}, {pipeline_mode = #tpu.pipeline_mode<synchronous>, transform_indices = @transform_5, window_bounds = array<i64: 1, 2>}, {transform_indices = @transform_6, window_bounds = array<i64: 2048, 2>}]} {
    %get3A = arith.constant 0 : index
    %get3A_0 = arith.constant 0 : index
    %get3A_1 = vector.load %arg1[%get3A, %get3A_0] : memref<2048x128xf32, #tpu.memory_space<vmem>>, vector<2048x128xf32>
    %get3A_2 = arith.constant 0 : index
    %get3A_3 = arith.constant 0 : index
    %get3A_4 = vector.load %arg2[%get3A_2, %get3A_3] : memref<2048x13xf32, #tpu.memory_space<vmem>>, vector<2048x13xf32>
    %get3A_5 = arith.constant 0 : index
    %get3A_6 = arith.constant 0 : index
    %get3A_7 = vector.load %arg3[%get3A_5, %get3A_6] : memref<13x128xf32, #tpu.memory_space<vmem>>, vector<13x128xf32>
    %dot_general3A = arith.constant dense<0.000000e+00> : vector<2048x128xf32>
    %dot_general3A_8 = tpu.matmul %get3A_4, %get3A_7, %dot_general3A {dimension_numbers = #tpu.dot_dimension_numbers<[1], [0], [0], [1], [0, 0, 1, 1], [], []>, transpose_lhs_hint = false} : vector<2048x13xf32>, vector<13x128xf32>, vector<2048x128xf32> -> vector<2048x128xf32>
    %add3A = arith.addf %get3A_1, %dot_general3A_8 : vector<2048x128xf32>
    %get3A_9 = arith.constant 0 : index
    %get3A_10 = arith.constant 0 : index
    %get3A_11 = vector.load %arg4[%get3A_9, %get3A_10] : memref<1x128xf32, #tpu.memory_space<vmem>>, vector<1x128xf32>
    %add3A_12 = vector.broadcast %get3A_11 : vector<1x128xf32> to vector<2048x128xf32>
    %add3A_13 = arith.addf %add3A, %add3A_12 : vector<2048x128xf32>
    %max3A = arith.constant 0.000000e+00 : f32
    %max3A_14 = vector.broadcast %max3A : f32 to vector<2048x128xf32>
    %max3A_15 = arith.maximumf %add3A_13, %max3A_14 : vector<2048x128xf32>
    %get3A_16 = arith.constant 0 : index
    %get3A_17 = arith.constant 0 : index
    %get3A_18 = vector.load %arg5[%get3A_16, %get3A_17] : memref<128x2xf32, #tpu.memory_space<vmem>>, vector<128x2xf32>
    %dot_general3A_19 = arith.constant dense<0.000000e+00> : vector<2048x2xf32>
    %dot_general3A_20 = tpu.matmul %max3A_15, %get3A_18, %dot_general3A_19 {dimension_numbers = #tpu.dot_dimension_numbers<[1], [0], [0], [1], [0, 0, 1, 1], [], []>, transpose_lhs_hint = false} : vector<2048x128xf32>, vector<128x2xf32>, vector<2048x2xf32> -> vector<2048x2xf32>
    %get3A_21 = arith.constant 0 : index
    %get3A_22 = arith.constant 0 : index
    %get3A_23 = vector.load %arg6[%get3A_21, %get3A_22] : memref<1x2xf32, #tpu.memory_space<vmem>>, vector<1x2xf32>
    %add3A_24 = vector.broadcast %get3A_23 : vector<1x2xf32> to vector<2048x2xf32>
    %add3A_25 = arith.addf %dot_general3A_20, %add3A_24 : vector<2048x2xf32>
    %swap3A = arith.constant 0 : index
    %swap3A_26 = arith.constant 0 : index
    %swap3A_27 = vector.load %arg7[%swap3A, %swap3A_26] : memref<2048x2xf32, #tpu.memory_space<vmem>>, vector<2048x2xf32>
    tpu.vector_store %arg7[%swap3A, %swap3A_26], %add3A_25 {strides = array<i32>} : memref<2048x2xf32, #tpu.memory_space<vmem>>, vector<2048x2xf32>,
    return
  }
  func.func @transform_0(%arg0: i32) -> (i32, i32) {
    %c0_i32 = arith.constant 0 : i32
    %c0_i32_0 = arith.constant 0 : i32
    return %arg0, %c0_i32 : i32, i32
  }
  func.func @transform_1(%arg0: i32) -> (i32, i32) {
    %c0_i32 = arith.constant 0 : i32
    %c0_i32_0 = arith.constant 0 : i32
    return %arg0, %c0_i32 : i32, i32
  }
  func.func @transform_2(%arg0: i32) -> (i32, i32) {
    %c0_i32 = arith.constant 0 : i32
    %c0_i32_0 = arith.constant 0 : i32
    %c0_i32_1 = arith.constant 0 : i32
    return %c0_i32, %c0_i32_0 : i32, i32
  }
  func.func @transform_3(%arg0: i32) -> (i32, i32) {
    %c0_i32 = arith.constant 0 : i32
    %c0_i32_0 = arith.constant 0 : i32
    %c0_i32_1 = arith.constant 0 : i32
    return %c0_i32, %c0_i32_0 : i32, i32
  }
  func.func @transform_4(%arg0: i32) -> (i32, i32) {
    %c0_i32 = arith.constant 0 : i32
    %c0_i32_0 = arith.constant 0 : i32
    %c0_i32_1 = arith.constant 0 : i32
    return %c0_i32, %c0_i32_0 : i32, i32
  }
  func.func @transform_5(%arg0: i32) -> (i32, i32) {
    %c0_i32 = arith.constant 0 : i32
    %c0_i32_0 = arith.constant 0 : i32
    %c0_i32_1 = arith.constant 0 : i32
    return %c0_i32, %c0_i32_0 : i32, i32
  }
  func.func @transform_6(%arg0: i32) -> (i32, i32) {
    %c0_i32 = arith.constant 0 : i32
    %c0_i32_0 = arith.constant 0 : i32
    return %arg0, %c0_i32 : i32, i32
  }
}

</mosaic_0001>

<sc_bundles>
// kernel: kernel.4.cloned.1.call-start
scs
__scs_entry_jumppad:
0x0: {  	(pc) =	sbr.rel $0x88, $3  }
0x1: {  	(tag) =	ssettag $0x0;
	lr =	simm.s32 $0x1  }
0x2: {  	[smem:$0x3F9A] =	sst lr;
	_ =	strace $0xD0000000  }
0x3: {  	_ = 	snop  }
0x4: {  	_ = 	snop  }
0x5: {  	_ = 	snop  }
0x6: {  	_ = 	snop  }
0x7: {  	_ = 	snop  }
__scs_overlays_trampoline_lowered:
0x8: {  	[smem:$0x3FA9] =	sst s0  }
0x9: {  	[smem:$0x3FAA] =	sst s1  }
0xa: {  	[smem:$0x3FAB] =	sst s2  }
0xb: {  	[smem:$0x3FAC] =	sst s3  }
0xc: {  	[smem:$0x3FAD] =	sst s4  }
0xd: {  	[smem:$0x3FAE] =	sst s5  }
0xe: {  	[smem:$0x3FAF] =	sst s6  }
0xf: {  	[smem:$0x3FB0] =	sst s7  }
0x10: {  	[smem:$0x3FB1] =	sst s8  }
0x11: {  	[smem:$0x3FB2] =	sst s9;
	s0 =	simm.s32 @!p0 $0x0  }
0x12: {  	s1 =	sld [smem:$0x3F98];
	s0 =	simm.s32 @p0 $0x1  }
0x13: {  	[smem:$0x3FB3] =	sst s0;
	s0 =	simm.s32 @!p1 $0x0  }
0x14: {  	s2 =	sld [smem:$0x3F97];
	s0 =	simm.s32 @p1 $0x1  }
0x15: {  	[smem:$0x3FB4] =	sst s0;
	s0 =	simm.s32 @!p2 $0x0  }
0x16: {  	s3 =	sld [smem:$0x3FDB];
	s0 =	simm.s32 @p2 $0x1  }
0x17: {  	s4 =	simm.s32 $0x1BF5;
	[smem:$0x3FB6] =	sst s0  }
0x18: {  	s0 =	sld [smem:$0x3F99];
	_ =	swait.ge [sflag:s4], $0x0  }
0x19: {  	s7 =	sld [smem:$0x3F9A]  }
0x1a: {  	s8 =	sadd.s32 $0xFFFFE003, lr  }
0x1b: {  	s9 =	sadd.s32 $0xFFFFFEF7, lr;
	s5 =	simm.s32 $0xFFFFFFFF;
	p2 =	slt.u32 s8, $0xFFFFF086  }
0x1c: {  	p1 =	slt.u32 s9, $0xF7A;
	s5 =	simm.s32 @!p2 $0x0  }
0x1d: {  	s5 =	simm.s32 @p1 $0x1;
	p0 =	seq.s32 s7, s2  }
0x1e: {  	s7 =	smul.u32 @!p0 $0xF7A, s2;
	p2 =	seq.s32 @!p0 s5, $0x0  }
0x1f: {  	s9 =	smul.u32 $0xF7A, s1;
	s8 =	simm.s32 @!p0 $0x1BF5;
	p2 =	por !p2, p0  }
0x20: {  	[sflag:s8] =	ssyncset.s32 @!p0 $0xFFFFF086;
	s6 =	sadd.s32 @!p0 s3, s7;
	s7 =	simm.s32 @!p0 $0x108  }
0x21: {  	s3 =	sadd.s32 s3, s9;
	s6 =	sadd.s32 @!p0 $0x88, s6;
	s7 =	simm.s32 @p2 $0x1082  }
0x22: {  	[simem:s7], [sflag:s8] =	dma.local @!p0 [hbm:s6], $0xF7A  }
0x23: {  	s9 =	sor.u32 $0xD0000000, s2;
	s6 =	simm.s32 $0x108;
	_ =	swait.ge @!p0 [sflag:s8], $0x0  }
0x24: {  	s3 =	sadd.s32 $0x88, s3;
	s6 =	simm.s32 @!p1 $0x1082;
	[sflag:s4] =	ssyncset.s32 $0xFFFFF086  }
0x25: {  	[simem:s6], [sflag:s4] =	dma.local [hbm:s3], $0xF7A  }
0x26: {  	[smem:$0x3F9A] =	sst s1;
	(tag) =	ssettag s2;
	_ =	strace s9  }
0x27: {  	s1 =	sld [smem:$0x3FAA]  }
0x28: {  	s2 =	sld [smem:$0x3FAB]  }
0x29: {  	s4 =	sld [smem:$0x3FAD]  }
0x2a: {  	p0 =	seq.s32 s5, $0x0;
	s5 =	sld [smem:$0x3FAE]  }
0x2b: {  	s6 =	sld [smem:$0x3FAF]  }
0x2c: {  	s7 =	sld [smem:$0x3FB0]  }
0x2d: {  	s3 =	simm.s32 $0x108;
	s8 =	sld [smem:$0x3FB1]  }
0x2e: {  	s3 =	simm.s32 @!p0 $0x1082;
	s9 =	sld [smem:$0x3FB2]  }
0x2f: {  	lr =	sadd.s32 s0, s3;
	s0 =	sld [smem:$0x3FA9]  }
0x30: {  	s3 =	sld [smem:$0x3FAC]  }
0x31: {  	[smem:$0x3FB5] =	sst s10  }
0x32: {  	s10 =	sld [smem:$0x3FB3];
	_ =	sdelay $0x3  }
0x33: {  	p0 =	seq.s32 s10, $0x1;
	s10 =	sld [smem:$0x3FB5];
	_ =	sdelay $0x3  }
0x34: {  	[smem:$0x3FB5] =	sst s10  }
0x35: {  	s10 =	sld [smem:$0x3FB4];
	_ =	sdelay $0x3  }
0x36: {  	p1 =	seq.s32 s10, $0x1;
	s10 =	sld [smem:$0x3FB5];
	_ =	sdelay $0x3  }
0x37: {  	[smem:$0x3FB5] =	sst s10  }
0x38: {  	s10 =	sld [smem:$0x3FB6]  }
0x39: {  	_ = 	snop;
	(pc) =	sbr.ind lr, $3  }
0x3a: {  	_ = 	snop  }
0x3b: {  	_ = 	snop  }
0x3c: {  	p2 =	seq.s32 s10, $0x1;
	s10 =	sld [smem:$0x3FB5]  }
0x3d: {  	_ =	shalt  }
0x3e: {  	_ =	shalt  }
0x3f: {  	_ =	shalt  }
0x40: {  	_ =	shalt  }
0x41: {  	_ =	shalt  }
0x42: {  	_ =	shalt  }
0x43: {  	_ =	shalt  }
0x44: {  	_ =	shalt  }
0x45: {  	_ =	shalt  }
0x46: {  	_ =	shalt  }
0x47: {  	_ =	shalt  }
0x48: {  	_ =	shalt  }
0x49: {  	_ =	shalt  }
0x4a: {  	_ =	shalt  }
0x4b: {  	_ =	shalt  }
0x4c: {  	_ =	shalt  }
0x4d: {  	_ =	shalt  }
0x4e: {  	_ =	shalt  }
0x4f: {  	_ =	shalt  }
0x50: {  	_ =	shalt  }
0x51: {  	_ =	shalt  }
0x52: {  	_ =	shalt  }
0x53: {  	_ =	shalt  }
0x54: {  	_ =	shalt  }
0x55: {  	_ =	shalt  }
0x56: {  	_ =	shalt  }
0x57: {  	_ =	shalt  }
0x58: {  	_ =	shalt  }
0x59: {  	_ =	shalt  }
0x5a: {  	_ =	shalt  }
0x5b: {  	_ =	shalt  }
0x5c: {  	_ =	shalt  }
0x5d: {  	_ =	shalt  }
0x5e: {  	_ =	shalt  }
0x5f: {  	_ =	shalt  }
0x60: {  	_ =	shalt  }
0x61: {  	_ =	shalt  }
0x62: {  	_ =	shalt  }
0x63: {  	_ =	shalt  }
0x64: {  	_ =	shalt  }
0x65: {  	_ =	shalt  }
0x66: {  	_ =	shalt  }
0x67: {  	_ =	shalt  }
0x68: {  	_ =	shalt  }
0x69: {  	_ =	shalt  }
0x6a: {  	_ =	shalt  }
0x6b: {  	_ =	shalt  }
0x6c: {  	_ =	shalt  }
0x6d: {  	_ =	shalt  }
0x6e: {  	_ =	shalt  }
0x6f: {  	_ =	shalt  }
0x70: {  	_ =	shalt  }
0x71: {  	_ =	shalt  }
0x72: {  	_ =	shalt  }
0x73: {  	_ =	shalt  }
0x74: {  	_ =	shalt  }
0x75: {  	_ =	shalt  }
0x76: {  	_ =	shalt  }
0x77: {  	_ =	shalt  }
0x78: {  	_ =	shalt  }
0x79: {  	_ =	shalt  }
0x7a: {  	_ =	shalt  }
0x7b: {  	_ =	shalt  }
0x7c: {  	_ =	shalt  }
0x7d: {  	_ =	shalt  }
0x7e: {  	_ =	shalt  }
0x7f: {  	_ =	shalt  }
0x80: {  	_ =	shalt  }
0x81: {  	_ =	shalt  }
0x82: {  	_ =	shalt  }
0x83: {  	_ =	shalt  }
0x84: {  	_ =	shalt  }
0x85: {  	_ =	shalt  }
0x86: {  	_ =	shalt  }
0x87: {  	_ =	shalt  }
.Lfunc_end0:
.L_simem_size_0:
called_computation_lowered:
.L_overlay_start_0:
0x88: {  	s2 =	sld [smem:$0x3FD9]  }
0x89: {  	s3 =	sld [smem:$0x3FFE];
	_ =	sdelay $0x1  }
0x8a: {  	s1 =	srdreg.scid  }
0x8b: {  	s0 =	sand.u32 $0x1, s1  }
0x8c: {  	s16 =	sshll.u32 s0, $0xA;
	s2 =	sadd.s32 s3, s2  }
0x8d: {  	s2 =	sadd.s32 s2, s16  }
0x8e: {  	[smem:$0x3FC1] =	sst s2  }
0x8f: {  	_ = 	snop  }
0x90: {  	(tm) =	ssettm $0x1  }
0x91: {  	s17 =	sld [smem:$0x3FFB];
	_ =	sdelay $0x3  }
0x92: {  	_ =	strace s17  }
0x93: {  	s2 =	sld [smem:$0x3FFC];
	_ =	sdelay $0x3  }
0x94: {  	_ =	strace s2  }
0x95: {  	s2 =	sld [smem:$0x3FFD];
	_ =	sdelay $0x3  }
0x96: {  	_ =	strace s2  }
0x97: {  	_ =	strace $0x8FFFFFFF  }
0x98: {  	s18 =	sld [smem:$0x3FDB];
	_ =	sdelay $0x1  }
0x99: {  	s19 =	simm.s32 $_scs_section_size  }
0x9a: {  	s4 =	simm.s32 $_size__tile_overlayer_lowered;
	s5 =	simm.s32 $_tile_overlayer_lowered  }
0x9b: {  	s22 =	simm.s32 $0x1BFF;
	s21 =	sshll.u32 s5, $0x1;
	s2 =	sadd.s32 s19, s18  }
0x9c: {  	s6 =	simm.s32 $0x0;
	s20 =	sshll.u32 s4, $0x1;
	s4 =	sadd.s32 s21, s2  }
0x9d: {  	[timem:s6], [sflag:s22] =	dma.local [hbm:s4], s20  }
0x9e: {  	_ =	swait.ge [sflag:s22], s20  }
0x9f: {  	s3 =	ssub.s32 $0x0, s20;
	[sflag:s22] =	ssyncset.done $0x0  }
0xa0: {  	[sflag:s22] =	ssyncadd.s32 s3;
	_ =	sdelay $0x1  }
0xa1: {  	s23 =	simm.s32 $0x1B8B  }
0xa2: {  	_ =	swait.ge [sflag:s23], $0x1  }
0xa3: {  	[sflag:s23] =	ssyncset.done $0x0  }
0xa4: {  	s25 =	simm.s32 $0x1B8E;
	s24 =	sld [smem:$0x3FFE];
	[sflag:s23] =	ssyncadd.s32 $0xFFFFFFFF  }
0xa5: {  	s26 =	simm.s32 $execute0_lowered;
	[smem:$0x3FD2] =	sst s25  }
0xa6: {  	s4 =	sshll.u32 s26, $0x1;
	_ =	strace $0x80000046;
	[dreg:$0x1] =	wrdreg $0xFFFFFFFF  }
0xa7: {  	s28 =	simm.s32 $_size_execute0_lowered;
	s2 =	sadd.s32 s2, s4;
	[dreg:$0x0] =	wrdreg $0x0  }
0xa8: {  	s4 =	sshll.u32 s28, $0x1;
	[dreg:$0x2] =	wrdreg s2  }
0xa9: {  	[dreg:$0x3] =	wrdreg s4  }
0xaa: {  	[dreg:$0x4] =	wrdreg $0xC0  }
0xab: {  	_ =	task [dreg:s6], $0x5FFFF  }
0xac: {  	[dreg:$0x1] =	wrdreg $0xFFFFFFFF  }
0xad: {  	[dreg:$0x0] =	wrdreg $0x60  }
0xae: {  	[dreg:$0x2] =	wrdreg s24  }
0xaf: {  	[dreg:$0x3] =	wrdreg $0x9  }
0xb0: {  	_ =	task.clear_ibuf [dreg:s6], $0x4FFFF;
	_ =	strace $0x90000046  }
0xb1: {  	s29 =	simm.s32 $0x9;
	_ =	strace $0x80000048  }
0xb2: {  	_ =	swait.ge [sflag:s29], $0x1  }
0xb3: {  	[sflag:s29] =	ssyncadd.s32 $0xFFFFFFFF  }
0xb4: {  	_ =	strace $0x90000048  }
0xb5: {  	_ =	sfence  }
0xb6: {  	s30 =	sld [smem:$0x0];
	_ =	sdelay $0x2  }
0xb7: {  	s31 =	sshll.u32 s1, $0xD;
	s1 =	sshrl.u32 s1, $0x2  }
0xb8: {  	s3 =	sand.u32 $0x4000, s31;
	s1 =	sadd.s32 s1, s30  }
0xb9: {  	s0 =	sor.u32 s3, s0;
	s1 =	sshll.u32 s1, $0x11  }
0xba: {  	s0 =	sor.u32 s1, s0  }
0xbb: {  	s0 =	sadd.s32 $0x8F2B, s0  }
0xbc: {  	[sflag:s0] =	ssyncadd.remote.s32 $0x1  }
0xbd: {  	_ =	sfence.sel $0xFFFF  }
0xbe: {  	[dreg:$0x0] =	wrdreg $0xFFFFFFFF;
	(pc) =	sbr.abs _section_cstart, $3  }
0xbf: {  	[dreg:$0x1] =	wrdreg $0xFFFFFFFF  }
0xc0: {  	_ =	task.clear_ibuf [dreg:s6], $0x2FFFF;
	_ =	strace $0x9FFFFFFF  }
0xc1: {  	(tm) =	ssettm $0x7FFFFFFF  }
tec
execute0_lowered:
.L_overlay_start_1:
0x0: {  	(tag) =	ssettag $0x1  }
0x1: {  	s1 =	srdreg.scid;
	s0 =	stileid.u32  }
0x2: {  	s5 =	rddreg [dreg:$0x0];
	s2 =	simm.s32 $0x0;
	s10 =	simm.s32 $0x1  }
0x3: {  	s11 =	simm.s32 $0x0;
	s4 =	sand.u32 $0x1, s1;
	s1 =	rddreg [dreg:$0x1]  }
0x4: {  	s3 =	sshll.u32 s0, $0x3;
	[smem:$0x7FF] =	sst s2;
	s8 =	sshll.u32 s0, $0xE  }
0x5: {  	s6 =	sshll.u32 s4, $0x2;
	_ =	strace $0x80000047;
	s7 =	ssub.s32 $0x2, s4  }
0x6: {  	s8 =	sadd.s32 s8, s5;
	s30 =	sshll.u32 s4, $0xD;
	s3 =	sor.u32 s6, s3  }
0x7: {  	s9 =	sshrl.u32 s7, $0x1;
	s31 =	sadd.s32 s30, s8;
	s6 =	smul.u32 $0x1A0, s3  }
0x8: {  	s8 =	simm.s32 $0x80;
	s3 =	sadd.s32 $0xDE00, s5;
	s29 =	ssub.s32 s7, s9  }
0x9: {  	s7 =	simm.s32 $0x2;
	s9 =	simm.s32 $0x3400;
	s6 =	sadd.s32 s6, s5  }
0xa: {  	s5 =	smax.u32 s29, $0x1;
	s4 =	sadd.s32 $0xE00, s6;
	s6 =	sadd.s32 $0x27BA200, s31  }
.LBB2_1:
0xb: {  	[tilespmem:s2], [sflag:$0x2] =	stream.linear.gather [hbm4b:s4+s2], $0x3400, $0x38;
	[tilespmem:$0x7400] =	vst v63  }
0xc: {  	_ =	swait.ge [sflag:s7], $0x3400  }
0xd: {  	[sflag:s7] =	ssyncset.done $0x0  }
0xe: {  	s12 =	simm.s32 $0x0;
	[sflag:s7] =	ssyncadd.s32 $0xFFFFCC00  }
0xf: {  	[tilespmem:s9], [sflag:$0x1] =	stream.indirect.gather [hbm4b:s3+s8], $0x80, s12, s8, $0xb8;
	[tilespmem:$0x7400] =	vst v63  }
0x10: {  	_ =	swait.ge [sflag:s10], $0x4000  }
0x11: {  	[sflag:s10] =	ssyncset.done $0x0  }
0x12: {  	s24 =	simm.s32 $0x80;
	[sflag:s10] =	ssyncadd.s32 $0xFFFFC000  }
0x13: {  	[tilespmem:s9], [sflag:$0x1] =	stream.indirect.gather.add.f32 [hbm:s3], $0x80, s24, s8, $0xb8;
	[tilespmem:$0x7400] =	vst v63  }
0x14: {  	s25 =	simm.s32 $0x100  }
0x15: {  	[tilespmem:s9], [sflag:$0x1] =	stream.indirect.gather.add.f32 [hbm:s3], $0x80, s25, s8, $0xb8;
	[tilespmem:$0x7400] =	vst v63  }
0x16: {  	s26 =	simm.s32 $0x180  }
0x17: {  	[tilespmem:s9], [sflag:$0x1] =	stream.indirect.gather.add.f32 [hbm:s3], $0x80, s26, s8, $0xb8;
	[tilespmem:$0x7400] =	vst v63  }
0x18: {  	s28 =	simm.s32 $0x200  }
0x19: {  	[tilespmem:s9], [sflag:$0x1] =	stream.indirect.gather.add.f32 [hbm:s3], $0x80, s28, s8, $0xb8;
	[tilespmem:$0x7400] =	vst v63  }
0x1a: {  	s29 =	simm.s32 $0x280  }
0x1b: {  	[tilespmem:s9], [sflag:$0x1] =	stream.indirect.gather.add.f32 [hbm:s3], $0x80, s29, s8, $0xb8;
	[tilespmem:$0x7400] =	vst v63  }
0x1c: {  	s30 =	simm.s32 $0x300  }
0x1d: {  	[tilespmem:s9], [sflag:$0x1] =	stream.indirect.gather.add.f32 [hbm:s3], $0x80, s30, s8, $0xb8;
	[tilespmem:$0x7400] =	vst v63  }
0x1e: {  	s31 =	simm.s32 $0x380  }
0x1f: {  	[tilespmem:s9], [sflag:$0x1] =	stream.indirect.gather.add.f32 [hbm:s3], $0x80, s31, s8, $0xb8;
	[tilespmem:$0x7400] =	vst v63  }
0x20: {  	s13 =	simm.s32 $0x400  }
0x21: {  	[tilespmem:s9], [sflag:$0x1] =	stream.indirect.gather.add.f32 [hbm:s3], $0x80, s13, s8, $0xb8;
	[tilespmem:$0x7400] =	vst v63  }
0x22: {  	s14 =	simm.s32 $0x480  }
0x23: {  	[tilespmem:s9], [sflag:$0x1] =	stream.indirect.gather.add.f32 [hbm:s3], $0x80, s14, s8, $0xb8;
	[tilespmem:$0x7400] =	vst v63  }
0x24: {  	s15 =	simm.s32 $0x500  }
0x25: {  	[tilespmem:s9], [sflag:$0x1] =	stream.indirect.gather.add.f32 [hbm:s3], $0x80, s15, s8, $0xb8;
	[tilespmem:$0x7400] =	vst v63  }
0x26: {  	s16 =	simm.s32 $0x580  }
0x27: {  	[tilespmem:s9], [sflag:$0x1] =	stream.indirect.gather.add.f32 [hbm:s3], $0x80, s16, s8, $0xb8;
	[tilespmem:$0x7400] =	vst v63  }
0x28: {  	s17 =	simm.s32 $0x600  }
0x29: {  	[tilespmem:s9], [sflag:$0x1] =	stream.indirect.gather.add.f32 [hbm:s3], $0x80, s17, s8, $0xb8;
	[tilespmem:$0x7400] =	vst v63  }
0x2a: {  	s18 =	simm.s32 $0x680  }
0x2b: {  	[tilespmem:s9], [sflag:$0x1] =	stream.indirect.gather.add.f32 [hbm:s3], $0x80, s18, s8, $0xb8;
	[tilespmem:$0x7400] =	vst v63  }
0x2c: {  	s19 =	simm.s32 $0x700  }
0x2d: {  	[tilespmem:s9], [sflag:$0x1] =	stream.indirect.gather.add.f32 [hbm:s3], $0x80, s19, s8, $0xb8;
	[tilespmem:$0x7400] =	vst v63  }
0x2e: {  	s20 =	simm.s32 $0x780  }
0x2f: {  	[tilespmem:s9], [sflag:$0x1] =	stream.indirect.gather.add.f32 [hbm:s3], $0x80, s20, s8, $0xb8;
	[tilespmem:$0x7400] =	vst v63  }
0x30: {  	s21 =	simm.s32 $0x800  }
0x31: {  	[tilespmem:s9], [sflag:$0x1] =	stream.indirect.gather.add.f32 [hbm:s3], $0x80, s21, s8, $0xb8;
	[tilespmem:$0x7400] =	vst v63  }
0x32: {  	s22 =	simm.s32 $0x880  }
0x33: {  	[tilespmem:s9], [sflag:$0x1] =	stream.indirect.gather.add.f32 [hbm:s3], $0x80, s22, s8, $0xb8;
	[tilespmem:$0x7400] =	vst v63  }
0x34: {  	s23 =	simm.s32 $0x900  }
0x35: {  	[tilespmem:s9], [sflag:$0x1] =	stream.indirect.gather.add.f32 [hbm:s3], $0x80, s23, s8, $0xb8;
	[tilespmem:$0x7400] =	vst v63  }
0x36: {  	s24 =	simm.s32 $0x980  }
0x37: {  	[tilespmem:s9], [sflag:$0x1] =	stream.indirect.gather.add.f32 [hbm:s3], $0x80, s24, s8, $0xb8;
	[tilespmem:$0x7400] =	vst v63  }
0x38: {  	s25 =	simm.s32 $0xA00  }
0x39: {  	[tilespmem:s9], [sflag:$0x1] =	stream.indirect.gather.add.f32 [hbm:s3], $0x80, s25, s8, $0xb8;
	[tilespmem:$0x7400] =	vst v63  }
0x3a: {  	s26 =	simm.s32 $0xA80  }
0x3b: {  	[tilespmem:s9], [sflag:$0x1] =	stream.indirect.gather.add.f32 [hbm:s3], $0x80, s26, s8, $0xb8;
	[tilespmem:$0x7400] =	vst v63  }
0x3c: {  	s28 =	simm.s32 $0xB00  }
0x3d: {  	[tilespmem:s9], [sflag:$0x1] =	stream.indirect.gather.add.f32 [hbm:s3], $0x80, s28, s8, $0xb8;
	[tilespmem:$0x7400] =	vst v63  }
0x3e: {  	s29 =	simm.s32 $0xB80  }
0x3f: {  	[tilespmem:s9], [sflag:$0x1] =	stream.indirect.gather.add.f32 [hbm:s3], $0x80, s29, s8, $0xb8;
	[tilespmem:$0x7400] =	vst v63  }
0x40: {  	s30 =	simm.s32 $0xC00  }
0x41: {  	[tilespmem:s9], [sflag:$0x1] =	stream.indirect.gather.add.f32 [hbm:s3], $0x80, s30, s8, $0xb8;
	[tilespmem:$0x7400] =	vst v63  }
0x42: {  	s31 =	simm.s32 $0xC80  }
0x43: {  	[tilespmem:s9], [sflag:$0x1] =	stream.indirect.gather.add.f32 [hbm:s3], $0x80, s31, s8, $0xb8;
	[tilespmem:$0x7400] =	vst v63  }
0x44: {  	_ =	swait.ge [sflag:s10], $0x4000  }
0x45: {  	[sflag:s10] =	ssyncset.done $0x0  }
0x46: {  	[sflag:s10] =	ssyncadd.s32 $0xFFFFC000  }
0x47: {  	_ =	swait.ge [sflag:s10], $0x4000  }
0x48: {  	[sflag:s10] =	ssyncset.done $0x0  }
0x49: {  	[sflag:s10] =	ssyncadd.s32 $0xFFFFC000  }
0x4a: {  	_ =	swait.ge [sflag:s10], $0x4000  }
0x4b: {  	[sflag:s10] =	ssyncset.done $0x0  }
0x4c: {  	[sflag:s10] =	ssyncadd.s32 $0xFFFFC000  }
0x4d: {  	_ =	swait.ge [sflag:s10], $0x4000  }
0x4e: {  	[sflag:s10] =	ssyncset.done $0x0  }
0x4f: {  	[sflag:s10] =	ssyncadd.s32 $0xFFFFC000  }
0x50: {  	_ =	swait.ge [sflag:s10], $0x4000  }
0x51: {  	[sflag:s10] =	ssyncset.done $0x0  }
0x52: {  	[sflag:s10] =	ssyncadd.s32 $0xFFFFC000  }
0x53: {  	_ =	swait.ge [sflag:s10], $0x4000  }
0x54: {  	[sflag:s10] =	ssyncset.done $0x0  }
0x55: {  	[sflag:s10] =	ssyncadd.s32 $0xFFFFC000  }
0x56: {  	_ =	swait.ge [sflag:s10], $0x4000  }
0x57: {  	[sflag:s10] =	ssyncset.done $0x0  }
0x58: {  	[sflag:s10] =	ssyncadd.s32 $0xFFFFC000  }
0x59: {  	_ =	swait.ge [sflag:s10], $0x4000  }
0x5a: {  	[sflag:s10] =	ssyncset.done $0x0  }
0x5b: {  	[sflag:s10] =	ssyncadd.s32 $0xFFFFC000  }
0x5c: {  	_ =	swait.ge [sflag:s10], $0x4000  }
0x5d: {  	[sflag:s10] =	ssyncset.done $0x0  }
0x5e: {  	[sflag:s10] =	ssyncadd.s32 $0xFFFFC000  }
0x5f: {  	_ =	swait.ge [sflag:s10], $0x4000  }
0x60: {  	[sflag:s10] =	ssyncset.done $0x0  }
0x61: {  	[sflag:s10] =	ssyncadd.s32 $0xFFFFC000  }
0x62: {  	_ =	swait.ge [sflag:s10], $0x4000  }
0x63: {  	[sflag:s10] =	ssyncset.done $0x0  }
0x64: {  	[sflag:s10] =	ssyncadd.s32 $0xFFFFC000  }
0x65: {  	_ =	swait.ge [sflag:s10], $0x4000  }
0x66: {  	[sflag:s10] =	ssyncset.done $0x0  }
0x67: {  	[sflag:s10] =	ssyncadd.s32 $0xFFFFC000  }
0x68: {  	_ =	swait.ge [sflag:s10], $0x4000  }
0x69: {  	[sflag:s10] =	ssyncset.done $0x0  }
0x6a: {  	[sflag:s10] =	ssyncadd.s32 $0xFFFFC000  }
0x6b: {  	_ =	swait.ge [sflag:s10], $0x4000  }
0x6c: {  	[sflag:s10] =	ssyncset.done $0x0  }
0x6d: {  	[sflag:s10] =	ssyncadd.s32 $0xFFFFC000  }
0x6e: {  	_ =	swait.ge [sflag:s10], $0x4000  }
0x6f: {  	[sflag:s10] =	ssyncset.done $0x0  }
0x70: {  	[sflag:s10] =	ssyncadd.s32 $0xFFFFC000  }
0x71: {  	_ =	swait.ge [sflag:s10], $0x4000  }
0x72: {  	[sflag:s10] =	ssyncset.done $0x0  }
0x73: {  	[sflag:s10] =	ssyncadd.s32 $0xFFFFC000  }
0x74: {  	_ =	swait.ge [sflag:s10], $0x4000  }
0x75: {  	[sflag:s10] =	ssyncset.done $0x0  }
0x76: {  	[sflag:s10] =	ssyncadd.s32 $0xFFFFC000  }
0x77: {  	_ =	swait.ge [sflag:s10], $0x4000  }
0x78: {  	[sflag:s10] =	ssyncset.done $0x0  }
0x79: {  	[sflag:s10] =	ssyncadd.s32 $0xFFFFC000  }
0x7a: {  	_ =	swait.ge [sflag:s10], $0x4000  }
0x7b: {  	[sflag:s10] =	ssyncset.done $0x0  }
0x7c: {  	[sflag:s10] =	ssyncadd.s32 $0xFFFFC000  }
0x7d: {  	_ =	swait.ge [sflag:s10], $0x4000  }
0x7e: {  	[sflag:s10] =	ssyncset.done $0x0  }
0x7f: {  	[sflag:s10] =	ssyncadd.s32 $0xFFFFC000  }
0x80: {  	_ =	swait.ge [sflag:s10], $0x4000  }
0x81: {  	[sflag:s10] =	ssyncset.done $0x0  }
0x82: {  	[sflag:s10] =	ssyncadd.s32 $0xFFFFC000  }
0x83: {  	_ =	swait.ge [sflag:s10], $0x4000  }
0x84: {  	[sflag:s10] =	ssyncset.done $0x0  }
0x85: {  	[sflag:s10] =	ssyncadd.s32 $0xFFFFC000  }
0x86: {  	_ =	swait.ge [sflag:s10], $0x4000  }
0x87: {  	[sflag:s10] =	ssyncset.done $0x0  }
0x88: {  	[sflag:s10] =	ssyncadd.s32 $0xFFFFC000  }
0x89: {  	_ =	swait.ge [sflag:s10], $0x4000  }
0x8a: {  	[sflag:s10] =	ssyncset.done $0x0  }
0x8b: {  	[sflag:s10] =	ssyncadd.s32 $0xFFFFC000  }
0x8c: {  	_ =	swait.ge [sflag:s10], $0x4000  }
0x8d: {  	[sflag:s10] =	ssyncset.done $0x0  }
0x8e: {  	[sflag:s10] =	ssyncadd.s32 $0xFFFFC000  }
0x8f: {  	[hbm4b:s6+s2] =	stream.linear.scatter [tilespmem:s9], [sflag:$0x2], $0x4000, $0x38;
	[tilespmem:$0x7400] =	vst v63  }
0x90: {  	s12 =	sadd.s32 $0x800, s6;
	_ =	swait.ge [sflag:s7], $0x4000  }
0x91: {  	s13 =	simm.s32 $0x3400;
	s16 =	simm.s32 $0x6800;
	[sflag:s7] =	ssyncset.done $0x0  }
.LBB2_2:
0x92: {  	s15 =	sshra.s32 s13, $0x2  }
0x93: {  	[sflag:s7] =	ssyncadd.s32 $0xFFFFC000;
	s13 =	smov.u32 s16;
	s14 =	sadd.s32 $0x3400, s16  }
0x94: {  	[tilespmem:s9], [sflag:$0x1] =	stream.indirect.gather [hbm4b:s3+s8], $0x80, s15, s8, $0xb8;
	[tilespmem:$0x7400] =	vst v63  }
0x95: {  	p0 =	sne.s32 s16, $0x9C00;
	_ =	swait.ge [sflag:s10], $0x4000  }
0x96: {  	[sflag:s10] =	ssyncset.done $0x0  }
0x97: {  	s16 =	sadd.s32 $0x80, s15;
	[sflag:s10] =	ssyncadd.s32 $0xFFFFC000  }
0x98: {  	[tilespmem:s9], [sflag:$0x1] =	stream.indirect.gather.add.f32 [hbm:s3], $0x80, s16, s8, $0xb8;
	[tilespmem:$0x7400] =	vst v63  }
0x99: {  	s16 =	sadd.s32 $0x100, s15  }
0x9a: {  	[tilespmem:s9], [sflag:$0x1] =	stream.indirect.gather.add.f32 [hbm:s3], $0x80, s16, s8, $0xb8;
	[tilespmem:$0x7400] =	vst v63  }
0x9b: {  	s16 =	sadd.s32 $0x180, s15  }
0x9c: {  	[tilespmem:s9], [sflag:$0x1] =	stream.indirect.gather.add.f32 [hbm:s3], $0x80, s16, s8, $0xb8;
	[tilespmem:$0x7400] =	vst v63  }
0x9d: {  	s16 =	sadd.s32 $0x200, s15  }
0x9e: {  	[tilespmem:s9], [sflag:$0x1] =	stream.indirect.gather.add.f32 [hbm:s3], $0x80, s16, s8, $0xb8;
	[tilespmem:$0x7400] =	vst v63  }
0x9f: {  	s16 =	sadd.s32 $0x280, s15  }
0xa0: {  	[tilespmem:s9], [sflag:$0x1] =	stream.indirect.gather.add.f32 [hbm:s3], $0x80, s16, s8, $0xb8;
	[tilespmem:$0x7400] =	vst v63  }
0xa1: {  	s16 =	sadd.s32 $0x300, s15  }
0xa2: {  	[tilespmem:s9], [sflag:$0x1] =	stream.indirect.gather.add.f32 [hbm:s3], $0x80, s16, s8, $0xb8;
	[tilespmem:$0x7400] =	vst v63  }
0xa3: {  	s16 =	sadd.s32 $0x380, s15  }
0xa4: {  	[tilespmem:s9], [sflag:$0x1] =	stream.indirect.gather.add.f32 [hbm:s3], $0x80, s16, s8, $0xb8;
	[tilespmem:$0x7400] =	vst v63  }
0xa5: {  	s16 =	sadd.s32 $0x400, s15  }
0xa6: {  	[tilespmem:s9], [sflag:$0x1] =	stream.indirect.gather.add.f32 [hbm:s3], $0x80, s16, s8, $0xb8;
	[tilespmem:$0x7400] =	vst v63  }
0xa7: {  	s16 =	sadd.s32 $0x480, s15  }
0xa8: {  	[tilespmem:s9], [sflag:$0x1] =	stream.indirect.gather.add.f32 [hbm:s3], $0x80, s16, s8, $0xb8;
	[tilespmem:$0x7400] =	vst v63  }
0xa9: {  	s16 =	sadd.s32 $0x500, s15  }
0xaa: {  	[tilespmem:s9], [sflag:$0x1] =	stream.indirect.gather.add.f32 [hbm:s3], $0x80, s16, s8, $0xb8;
	[tilespmem:$0x7400] =	vst v63  }
0xab: {  	s16 =	sadd.s32 $0x580, s15  }
0xac: {  	[tilespmem:s9], [sflag:$0x1] =	stream.indirect.gather.add.f32 [hbm:s3], $0x80, s16, s8, $0xb8;
	[tilespmem:$0x7400] =	vst v63  }
0xad: {  	s16 =	sadd.s32 $0x600, s15  }
0xae: {  	[tilespmem:s9], [sflag:$0x1] =	stream.indirect.gather.add.f32 [hbm:s3], $0x80, s16, s8, $0xb8;
	[tilespmem:$0x7400] =	vst v63  }
0xaf: {  	s16 =	sadd.s32 $0x680, s15  }
0xb0: {  	[tilespmem:s9], [sflag:$0x1] =	stream.indirect.gather.add.f32 [hbm:s3], $0x80, s16, s8, $0xb8;
	[tilespmem:$0x7400] =	vst v63  }
0xb1: {  	s16 =	sadd.s32 $0x700, s15  }
0xb2: {  	[tilespmem:s9], [sflag:$0x1] =	stream.indirect.gather.add.f32 [hbm:s3], $0x80, s16, s8, $0xb8;
	[tilespmem:$0x7400] =	vst v63  }
0xb3: {  	s16 =	sadd.s32 $0x780, s15  }
0xb4: {  	[tilespmem:s9], [sflag:$0x1] =	stream.indirect.gather.add.f32 [hbm:s3], $0x80, s16, s8, $0xb8;
	[tilespmem:$0x7400] =	vst v63  }
0xb5: {  	s16 =	sadd.s32 $0x800, s15  }
0xb6: {  	[tilespmem:s9], [sflag:$0x1] =	stream.indirect.gather.add.f32 [hbm:s3], $0x80, s16, s8, $0xb8;
	[tilespmem:$0x7400] =	vst v63  }
0xb7: {  	s16 =	sadd.s32 $0x880, s15  }
0xb8: {  	[tilespmem:s9], [sflag:$0x1] =	stream.indirect.gather.add.f32 [hbm:s3], $0x80, s16, s8, $0xb8;
	[tilespmem:$0x7400] =	vst v63  }
0xb9: {  	s16 =	sadd.s32 $0x900, s15  }
0xba: {  	[tilespmem:s9], [sflag:$0x1] =	stream.indirect.gather.add.f32 [hbm:s3], $0x80, s16, s8, $0xb8;
	[tilespmem:$0x7400] =	vst v63  }
0xbb: {  	s16 =	sadd.s32 $0x980, s15  }
0xbc: {  	[tilespmem:s9], [sflag:$0x1] =	stream.indirect.gather.add.f32 [hbm:s3], $0x80, s16, s8, $0xb8;
	[tilespmem:$0x7400] =	vst v63  }
0xbd: {  	s16 =	sadd.s32 $0xA00, s15  }
0xbe: {  	[tilespmem:s9], [sflag:$0x1] =	stream.indirect.gather.add.f32 [hbm:s3], $0x80, s16, s8, $0xb8;
	[tilespmem:$0x7400] =	vst v63  }
0xbf: {  	s16 =	sadd.s32 $0xA80, s15  }
0xc0: {  	[tilespmem:s9], [sflag:$0x1] =	stream.indirect.gather.add.f32 [hbm:s3], $0x80, s16, s8, $0xb8;
	[tilespmem:$0x7400] =	vst v63  }
0xc1: {  	s16 =	sadd.s32 $0xB00, s15  }
0xc2: {  	[tilespmem:s9], [sflag:$0x1] =	stream.indirect.gather.add.f32 [hbm:s3], $0x80, s16, s8, $0xb8;
	[tilespmem:$0x7400] =	vst v63  }
0xc3: {  	s16 =	sadd.s32 $0xB80, s15  }
0xc4: {  	[tilespmem:s9], [sflag:$0x1] =	stream.indirect.gather.add.f32 [hbm:s3], $0x80, s16, s8, $0xb8;
	[tilespmem:$0x7400] =	vst v63  }
0xc5: {  	s16 =	sadd.s32 $0xC00, s15  }
0xc6: {  	[tilespmem:s9], [sflag:$0x1] =	stream.indirect.gather.add.f32 [hbm:s3], $0x80, s16, s8, $0xb8;
	[tilespmem:$0x7400] =	vst v63  }
0xc7: {  	s15 =	sadd.s32 $0xC80, s15  }
0xc8: {  	[tilespmem:s9], [sflag:$0x1] =	stream.indirect.gather.add.f32 [hbm:s3], $0x80, s15, s8, $0xb8;
	[tilespmem:$0x7400] =	vst v63  }
0xc9: {  	_ =	swait.ge [sflag:s10], $0x4000  }
0xca: {  	[sflag:s10] =	ssyncset.done $0x0  }
0xcb: {  	[sflag:s10] =	ssyncadd.s32 $0xFFFFC000  }
0xcc: {  	_ =	swait.ge [sflag:s10], $0x4000  }
0xcd: {  	[sflag:s10] =	ssyncset.done $0x0  }
0xce: {  	[sflag:s10] =	ssyncadd.s32 $0xFFFFC000  }
0xcf: {  	_ =	swait.ge [sflag:s10], $0x4000  }
0xd0: {  	[sflag:s10] =	ssyncset.done $0x0  }
0xd1: {  	[sflag:s10] =	ssyncadd.s32 $0xFFFFC000  }
0xd2: {  	_ =	swait.ge [sflag:s10], $0x4000  }
0xd3: {  	[sflag:s10] =	ssyncset.done $0x0  }
0xd4: {  	[sflag:s10] =	ssyncadd.s32 $0xFFFFC000  }
0xd5: {  	_ =	swait.ge [sflag:s10], $0x4000  }
0xd6: {  	[sflag:s10] =	ssyncset.done $0x0  }
0xd7: {  	[sflag:s10] =	ssyncadd.s32 $0xFFFFC000  }
0xd8: {  	_ =	swait.ge [sflag:s10], $0x4000  }
0xd9: {  	[sflag:s10] =	ssyncset.done $0x0  }
0xda: {  	[sflag:s10] =	ssyncadd.s32 $0xFFFFC000  }
0xdb: {  	_ =	swait.ge [sflag:s10], $0x4000  }
0xdc: {  	[sflag:s10] =	ssyncset.done $0x0  }
0xdd: {  	[sflag:s10] =	ssyncadd.s32 $0xFFFFC000  }
0xde: {  	_ =	swait.ge [sflag:s10], $0x4000  }
0xdf: {  	[sflag:s10] =	ssyncset.done $0x0  }
0xe0: {  	[sflag:s10] =	ssyncadd.s32 $0xFFFFC000  }
0xe1: {  	_ =	swait.ge [sflag:s10], $0x4000  }
0xe2: {  	[sflag:s10] =	ssyncset.done $0x0  }
0xe3: {  	[sflag:s10] =	ssyncadd.s32 $0xFFFFC000  }
0xe4: {  	_ =	swait.ge [sflag:s10], $0x4000  }
0xe5: {  	[sflag:s10] =	ssyncset.done $0x0  }
0xe6: {  	[sflag:s10] =	ssyncadd.s32 $0xFFFFC000  }
0xe7: {  	_ =	swait.ge [sflag:s10], $0x4000  }
0xe8: {  	[sflag:s10] =	ssyncset.done $0x0  }
0xe9: {  	[sflag:s10] =	ssyncadd.s32 $0xFFFFC000  }
0xea: {  	_ =	swait.ge [sflag:s10], $0x4000  }
0xeb: {  	[sflag:s10] =	ssyncset.done $0x0  }
0xec: {  	[sflag:s10] =	ssyncadd.s32 $0xFFFFC000  }
0xed: {  	_ =	swait.ge [sflag:s10], $0x4000  }
0xee: {  	[sflag:s10] =	ssyncset.done $0x0  }
0xef: {  	[sflag:s10] =	ssyncadd.s32 $0xFFFFC000  }
0xf0: {  	_ =	swait.ge [sflag:s10], $0x4000  }
0xf1: {  	[sflag:s10] =	ssyncset.done $0x0  }
0xf2: {  	[sflag:s10] =	ssyncadd.s32 $0xFFFFC000  }
0xf3: {  	_ =	swait.ge [sflag:s10], $0x4000  }
0xf4: {  	[sflag:s10] =	ssyncset.done $0x0  }
0xf5: {  	[sflag:s10] =	ssyncadd.s32 $0xFFFFC000  }
0xf6: {  	_ =	swait.ge [sflag:s10], $0x4000  }
0xf7: {  	[sflag:s10] =	ssyncset.done $0x0  }
0xf8: {  	[sflag:s10] =	ssyncadd.s32 $0xFFFFC000  }
0xf9: {  	_ =	swait.ge [sflag:s10], $0x4000  }
0xfa: {  	[sflag:s10] =	ssyncset.done $0x0  }
0xfb: {  	[sflag:s10] =	ssyncadd.s32 $0xFFFFC000  }
0xfc: {  	_ =	swait.ge [sflag:s10], $0x4000  }
0xfd: {  	[sflag:s10] =	ssyncset.done $0x0  }
0xfe: {  	[sflag:s10] =	ssyncadd.s32 $0xFFFFC000  }
0xff: {  	_ =	swait.ge [sflag:s10], $0x4000  }
0x100: {  	[sflag:s10] =	ssyncset.done $0x0  }
0x101: {  	[sflag:s10] =	ssyncadd.s32 $0xFFFFC000  }
0x102: {  	_ =	swait.ge [sflag:s10], $0x4000  }
0x103: {  	[sflag:s10] =	ssyncset.done $0x0  }
0x104: {  	[sflag:s10] =	ssyncadd.s32 $0xFFFFC000  }
0x105: {  	_ =	swait.ge [sflag:s10], $0x4000  }
0x106: {  	[sflag:s10] =	ssyncset.done $0x0  }
0x107: {  	[sflag:s10] =	ssyncadd.s32 $0xFFFFC000  }
0x108: {  	_ =	swait.ge [sflag:s10], $0x4000  }
0x109: {  	[sflag:s10] =	ssyncset.done $0x0  }
0x10a: {  	[sflag:s10] =	ssyncadd.s32 $0xFFFFC000  }
0x10b: {  	_ =	swait.ge [sflag:s10], $0x4000  }
0x10c: {  	[sflag:s10] =	ssyncset.done $0x0  }
0x10d: {  	[sflag:s10] =	ssyncadd.s32 $0xFFFFC000  }
0x10e: {  	_ =	swait.ge [sflag:s10], $0x4000  }
0x10f: {  	[sflag:s10] =	ssyncset.done $0x0  }
0x110: {  	[sflag:s10] =	ssyncadd.s32 $0xFFFFC000  }
0x111: {  	_ =	swait.ge [sflag:s10], $0x4000  }
.Ltmp0:
0x112: {  	[sflag:s10] =	ssyncset.done $0x0;
	(pc) =	sbr.rel @p0 .LBB2_2-.Ltmp0, $4  }
0x113: {  	[sflag:s10] =	ssyncadd.s32 $0xFFFFC000  }
0x114: {  	[hbm4b:s12+s2] =	stream.linear.scatter [tilespmem:s9], [sflag:$0x2], $0x4000, $0x38;
	[tilespmem:$0x7400] =	vst v63  }
0x115: {  	_ =	swait.ge [sflag:s7], $0x4000  }
0x116: {  	s16 =	smov.u32 s14;
	s12 =	sadd.s32 $0x800, s12;
	[sflag:s7] =	ssyncset.done $0x0  }
0x117: {  	s13 =	sshra.s32 s13, $0x2;
	[sflag:s7] =	ssyncadd.s32 $0xFFFFC000  }
0x118: {  	[tilespmem:s9], [sflag:$0x1] =	stream.indirect.gather [hbm4b:s3+s8], $0x80, s13, s8, $0xb8;
	[tilespmem:$0x7400] =	vst v63  }
0x119: {  	_ =	swait.ge [sflag:s10], $0x4000  }
0x11a: {  	[sflag:s10] =	ssyncset.done $0x0  }
0x11b: {  	s14 =	sadd.s32 $0x80, s13;
	[sflag:s10] =	ssyncadd.s32 $0xFFFFC000  }
0x11c: {  	[tilespmem:s9], [sflag:$0x1] =	stream.indirect.gather.add.f32 [hbm:s3], $0x80, s14, s8, $0xb8;
	[tilespmem:$0x7400] =	vst v63  }
0x11d: {  	s24 =	sadd.s32 $0x100, s13  }
0x11e: {  	[tilespmem:s9], [sflag:$0x1] =	stream.indirect.gather.add.f32 [hbm:s3], $0x80, s24, s8, $0xb8;
	[tilespmem:$0x7400] =	vst v63  }
0x11f: {  	s25 =	sadd.s32 $0x180, s13  }
0x120: {  	[tilespmem:s9], [sflag:$0x1] =	stream.indirect.gather.add.f32 [hbm:s3], $0x80, s25, s8, $0xb8;
	[tilespmem:$0x7400] =	vst v63  }
0x121: {  	s26 =	sadd.s32 $0x200, s13  }
0x122: {  	[tilespmem:s9], [sflag:$0x1] =	stream.indirect.gather.add.f32 [hbm:s3], $0x80, s26, s8, $0xb8;
	[tilespmem:$0x7400] =	vst v63  }
0x123: {  	s28 =	sadd.s32 $0x280, s13  }
0x124: {  	[tilespmem:s9], [sflag:$0x1] =	stream.indirect.gather.add.f32 [hbm:s3], $0x80, s28, s8, $0xb8;
	[tilespmem:$0x7400] =	vst v63  }
0x125: {  	s29 =	sadd.s32 $0x300, s13  }
0x126: {  	[tilespmem:s9], [sflag:$0x1] =	stream.indirect.gather.add.f32 [hbm:s3], $0x80, s29, s8, $0xb8;
	[tilespmem:$0x7400] =	vst v63  }
0x127: {  	s30 =	sadd.s32 $0x380, s13  }
0x128: {  	[tilespmem:s9], [sflag:$0x1] =	stream.indirect.gather.add.f32 [hbm:s3], $0x80, s30, s8, $0xb8;
	[tilespmem:$0x7400] =	vst v63  }
0x129: {  	s31 =	sadd.s32 $0x400, s13  }
0x12a: {  	[tilespmem:s9], [sflag:$0x1] =	stream.indirect.gather.add.f32 [hbm:s3], $0x80, s31, s8, $0xb8;
	[tilespmem:$0x7400] =	vst v63  }
0x12b: {  	s15 =	sadd.s32 $0x480, s13  }
0x12c: {  	[tilespmem:s9], [sflag:$0x1] =	stream.indirect.gather.add.f32 [hbm:s3], $0x80, s15, s8, $0xb8;
	[tilespmem:$0x7400] =	vst v63  }
0x12d: {  	s16 =	sadd.s32 $0x500, s13  }
0x12e: {  	[tilespmem:s9], [sflag:$0x1] =	stream.indirect.gather.add.f32 [hbm:s3], $0x80, s16, s8, $0xb8;
	[tilespmem:$0x7400] =	vst v63  }
0x12f: {  	s17 =	sadd.s32 $0x580, s13  }
0x130: {  	[tilespmem:s9], [sflag:$0x1] =	stream.indirect.gather.add.f32 [hbm:s3], $0x80, s17, s8, $0xb8;
	[tilespmem:$0x7400] =	vst v63  }
0x131: {  	s18 =	sadd.s32 $0x600, s13  }
0x132: {  	[tilespmem:s9], [sflag:$0x1] =	stream.indirect.gather.add.f32 [hbm:s3], $0x80, s18, s8, $0xb8;
	[tilespmem:$0x7400] =	vst v63  }
0x133: {  	s19 =	sadd.s32 $0x680, s13  }
0x134: {  	[tilespmem:s9], [sflag:$0x1] =	stream.indirect.gather.add.f32 [hbm:s3], $0x80, s19, s8, $0xb8;
	[tilespmem:$0x7400] =	vst v63  }
0x135: {  	s20 =	sadd.s32 $0x700, s13  }
0x136: {  	[tilespmem:s9], [sflag:$0x1] =	stream.indirect.gather.add.f32 [hbm:s3], $0x80, s20, s8, $0xb8;
	[tilespmem:$0x7400] =	vst v63  }
0x137: {  	s21 =	sadd.s32 $0x780, s13  }
0x138: {  	[tilespmem:s9], [sflag:$0x1] =	stream.indirect.gather.add.f32 [hbm:s3], $0x80, s21, s8, $0xb8;
	[tilespmem:$0x7400] =	vst v63  }
0x139: {  	s22 =	sadd.s32 $0x800, s13  }
0x13a: {  	[tilespmem:s9], [sflag:$0x1] =	stream.indirect.gather.add.f32 [hbm:s3], $0x80, s22, s8, $0xb8;
	[tilespmem:$0x7400] =	vst v63  }
0x13b: {  	s23 =	sadd.s32 $0x880, s13  }
0x13c: {  	[tilespmem:s9], [sflag:$0x1] =	stream.indirect.gather.add.f32 [hbm:s3], $0x80, s23, s8, $0xb8;
	[tilespmem:$0x7400] =	vst v63  }
0x13d: {  	s24 =	sadd.s32 $0x900, s13  }
0x13e: {  	[tilespmem:s9], [sflag:$0x1] =	stream.indirect.gather.add.f32 [hbm:s3], $0x80, s24, s8, $0xb8;
	[tilespmem:$0x7400] =	vst v63  }
0x13f: {  	s25 =	sadd.s32 $0x980, s13  }
0x140: {  	[tilespmem:s9], [sflag:$0x1] =	stream.indirect.gather.add.f32 [hbm:s3], $0x80, s25, s8, $0xb8;
	[tilespmem:$0x7400] =	vst v63  }
0x141: {  	s26 =	sadd.s32 $0xA00, s13  }
0x142: {  	[tilespmem:s9], [sflag:$0x1] =	stream.indirect.gather.add.f32 [hbm:s3], $0x80, s26, s8, $0xb8;
	[tilespmem:$0x7400] =	vst v63  }
0x143: {  	s28 =	sadd.s32 $0xA80, s13  }
0x144: {  	[tilespmem:s9], [sflag:$0x1] =	stream.indirect.gather.add.f32 [hbm:s3], $0x80, s28, s8, $0xb8;
	[tilespmem:$0x7400] =	vst v63  }
0x145: {  	s29 =	sadd.s32 $0xB00, s13  }
0x146: {  	[tilespmem:s9], [sflag:$0x1] =	stream.indirect.gather.add.f32 [hbm:s3], $0x80, s29, s8, $0xb8;
	[tilespmem:$0x7400] =	vst v63  }
0x147: {  	s30 =	sadd.s32 $0xB80, s13  }
0x148: {  	[tilespmem:s9], [sflag:$0x1] =	stream.indirect.gather.add.f32 [hbm:s3], $0x80, s30, s8, $0xb8;
	[tilespmem:$0x7400] =	vst v63  }
0x149: {  	s31 =	sadd.s32 $0xC00, s13  }
0x14a: {  	[tilespmem:s9], [sflag:$0x1] =	stream.indirect.gather.add.f32 [hbm:s3], $0x80, s31, s8, $0xb8;
	[tilespmem:$0x7400] =	vst v63  }
0x14b: {  	s13 =	sadd.s32 $0xC80, s13  }
0x14c: {  	[tilespmem:s9], [sflag:$0x1] =	stream.indirect.gather.add.f32 [hbm:s3], $0x80, s13, s8, $0xb8;
	[tilespmem:$0x7400] =	vst v63  }
0x14d: {  	_ =	swait.ge [sflag:s10], $0x4000  }
0x14e: {  	[sflag:s10] =	ssyncset.done $0x0  }
0x14f: {  	[sflag:s10] =	ssyncadd.s32 $0xFFFFC000  }
0x150: {  	_ =	swait.ge [sflag:s10], $0x4000  }
0x151: {  	[sflag:s10] =	ssyncset.done $0x0  }
0x152: {  	[sflag:s10] =	ssyncadd.s32 $0xFFFFC000  }
0x153: {  	_ =	swait.ge [sflag:s10], $0x4000  }
0x154: {  	[sflag:s10] =	ssyncset.done $0x0  }
0x155: {  	[sflag:s10] =	ssyncadd.s32 $0xFFFFC000  }
0x156: {  	_ =	swait.ge [sflag:s10], $0x4000  }
0x157: {  	[sflag:s10] =	ssyncset.done $0x0  }
0x158: {  	[sflag:s10] =	ssyncadd.s32 $0xFFFFC000  }
0x159: {  	_ =	swait.ge [sflag:s10], $0x4000  }
0x15a: {  	[sflag:s10] =	ssyncset.done $0x0  }
0x15b: {  	[sflag:s10] =	ssyncadd.s32 $0xFFFFC000  }
0x15c: {  	_ =	swait.ge [sflag:s10], $0x4000  }
0x15d: {  	[sflag:s10] =	ssyncset.done $0x0  }
0x15e: {  	[sflag:s10] =	ssyncadd.s32 $0xFFFFC000  }
0x15f: {  	_ =	swait.ge [sflag:s10], $0x4000  }
0x160: {  	[sflag:s10] =	ssyncset.done $0x0  }
0x161: {  	[sflag:s10] =	ssyncadd.s32 $0xFFFFC000  }
0x162: {  	_ =	swait.ge [sflag:s10], $0x4000  }
0x163: {  	[sflag:s10] =	ssyncset.done $0x0  }
0x164: {  	[sflag:s10] =	ssyncadd.s32 $0xFFFFC000  }
0x165: {  	_ =	swait.ge [sflag:s10], $0x4000  }
0x166: {  	[sflag:s10] =	ssyncset.done $0x0  }
0x167: {  	[sflag:s10] =	ssyncadd.s32 $0xFFFFC000  }
0x168: {  	_ =	swait.ge [sflag:s10], $0x4000  }
0x169: {  	[sflag:s10] =	ssyncset.done $0x0  }
0x16a: {  	[sflag:s10] =	ssyncadd.s32 $0xFFFFC000  }
0x16b: {  	_ =	swait.ge [sflag:s10], $0x4000  }
0x16c: {  	[sflag:s10] =	ssyncset.done $0x0  }
0x16d: {  	[sflag:s10] =	ssyncadd.s32 $0xFFFFC000  }
0x16e: {  	_ =	swait.ge [sflag:s10], $0x4000  }
0x16f: {  	[sflag:s10] =	ssyncset.done $0x0  }
0x170: {  	[sflag:s10] =	ssyncadd.s32 $0xFFFFC000  }
0x171: {  	_ =	swait.ge [sflag:s10], $0x4000  }
0x172: {  	[sflag:s10] =	ssyncset.done $0x0  }
0x173: {  	[sflag:s10] =	ssyncadd.s32 $0xFFFFC000  }
0x174: {  	_ =	swait.ge [sflag:s10], $0x4000  }
0x175: {  	[sflag:s10] =	ssyncset.done $0x0  }
0x176: {  	[sflag:s10] =	ssyncadd.s32 $0xFFFFC000  }
0x177: {  	_ =	swait.ge [sflag:s10], $0x4000  }
0x178: {  	[sflag:s10] =	ssyncset.done $0x0  }
0x179: {  	[sflag:s10] =	ssyncadd.s32 $0xFFFFC000  }
0x17a: {  	_ =	swait.ge [sflag:s10], $0x4000  }
0x17b: {  	[sflag:s10] =	ssyncset.done $0x0  }
0x17c: {  	[sflag:s10] =	ssyncadd.s32 $0xFFFFC000  }
0x17d: {  	_ =	swait.ge [sflag:s10], $0x4000  }
0x17e: {  	[sflag:s10] =	ssyncset.done $0x0  }
0x17f: {  	[sflag:s10] =	ssyncadd.s32 $0xFFFFC000  }
0x180: {  	_ =	swait.ge [sflag:s10], $0x4000  }
0x181: {  	[sflag:s10] =	ssyncset.done $0x0  }
0x182: {  	[sflag:s10] =	ssyncadd.s32 $0xFFFFC000  }
0x183: {  	_ =	swait.ge [sflag:s10], $0x4000  }
0x184: {  	[sflag:s10] =	ssyncset.done $0x0  }
0x185: {  	[sflag:s10] =	ssyncadd.s32 $0xFFFFC000  }
0x186: {  	_ =	swait.ge [sflag:s10], $0x4000  }
0x187: {  	[sflag:s10] =	ssyncset.done $0x0  }
0x188: {  	[sflag:s10] =	ssyncadd.s32 $0xFFFFC000  }
0x189: {  	_ =	swait.ge [sflag:s10], $0x4000  }
0x18a: {  	[sflag:s10] =	ssyncset.done $0x0  }
0x18b: {  	[sflag:s10] =	ssyncadd.s32 $0xFFFFC000  }
0x18c: {  	_ =	swait.ge [sflag:s10], $0x4000  }
0x18d: {  	[sflag:s10] =	ssyncset.done $0x0  }
0x18e: {  	[sflag:s10] =	ssyncadd.s32 $0xFFFFC000  }
0x18f: {  	_ =	swait.ge [sflag:s10], $0x4000  }
0x190: {  	[sflag:s10] =	ssyncset.done $0x0  }
0x191: {  	[sflag:s10] =	ssyncadd.s32 $0xFFFFC000  }
0x192: {  	_ =	swait.ge [sflag:s10], $0x4000  }
0x193: {  	[sflag:s10] =	ssyncset.done $0x0  }
0x194: {  	[sflag:s10] =	ssyncadd.s32 $0xFFFFC000  }
0x195: {  	s11 =	sadd.s32 $0x1, s11;
	_ =	swait.ge [sflag:s10], $0x4000  }
0x196: {  	p0 =	sne.s32 s11, s5;
	[sflag:s10] =	ssyncset.done $0x0  }
.Ltmp1:
0x197: {  	[sflag:s10] =	ssyncadd.s32 $0xFFFFC000;
	(pc) =	sbr.rel @p0 .LBB2_1-.Ltmp1, $4  }
0x198: {  	[hbm4b:s12+s2] =	stream.linear.scatter [tilespmem:s9], [sflag:$0x2], $0x4000, $0x38;
	[tilespmem:$0x7400] =	vst v63  }
0x199: {  	_ =	swait.ge [sflag:s7], $0x4000  }
0x19a: {  	[sflag:s7] =	ssyncset.done $0x0  }
0x19b: {  	[sflag:s7] =	ssyncadd.s32 $0xFFFFC000  }
0x19c: {  	_ =	sfence.sel $0x180000  }
0x19d: {  	[bflag:$0x0] =	sbarrier.arrive $0xFFFF  }
0x19e: {  	p0 =	sne.s32 s0, $0x0;
	_ =	strace $0x90000047  }
0x19f: {  	s0 =	sadd.s32 @!p0 $0x100000, s1;
	[bflag:$0x2] =	sbarrier.arrive $0xFFFF  }
0x1a0: {  	[sflag:s0] =	ssyncadd.tile.s32 @!p0 $0x1;
	_ =	shalt  }
.Lfunc_end2:
_tile_overlayer_lowered:
.L_overlay_start_2:
0x1a1: {  	(tag) =	ssettag $0x2  }
0x1a2: {  	s0 =	rddreg [dreg:$0x0];
	s2 =	stileid.u32  }
0x1a3: {  	s1 =	rddreg [dreg:$0x1];
	p0 =	sne.s32 s2, $0x0  }
0x1a4: {  	s3 =	rddreg [dreg:$0x2];
	[bflag:$0x3] =	sbarrier.arrive $0xFFFF;
	s2 =	simm.s32 @!p0 $0x1C02  }
0x1a5: {  	[timem:s3], [sflag:s2] =	dma.local @!p0 [hbm:s0], s1  }
0x1a6: {  	s0 =	simm.s32 @!p0 $0x2  }
0x1a7: {  	_ =	swait.ge @!p0 [sflag:s0], s1  }
0x1a8: {  	s1 =	ssub.s32 @!p0 $0x0, s1;
	[sflag:s0] =	ssyncset.done @!p0 $0x0  }
0x1a9: {  	[sflag:s0] =	ssyncadd.s32 @!p0 s1  }
0x1aa: {  	[bflag:$0x3] =	sbarrier.arrive $0xFFFF  }
0x1ab: {  	_ =	shalt  }

</sc_bundles>
